<compile_context>
chip_gen: v7x
topology: tpu7x:2x2x1
jax: 0.10.2.dev20260603
libtpu: 0.0.44.dev20260713+nightly
codegen_flags: <defaults>
</compile_context>

<pallas_src>
import functools

import jax
import jax.numpy as jnp
from jax import lax
from jax.experimental import pallas as pl
from jax.experimental.pallas import tpu as pltpu
from jax.experimental.pallas import tpu_sc as plsc

N, S, D, K = 4096, 200, 64, 50
NC, NS = 2, 16
NW = NC * NS
NG = NW // 4
CW = N // NG
CH = 8
DH = 8
NBUF = 3

_TASKS = []
for _c in range(4):
    for _h in range(2):
        _j0 = _c * 16 + _h * CH
        if _j0 >= K:
            continue
        _n = min(CH, K - _j0)
        for _ds in range(2):
            _TASKS.append((_c, _h, _ds, _j0, _n))

_mesh = plsc.VectorSubcoreMesh(core_axis_name="c", subcore_axis_name="s")


@functools.partial(
    pl.kernel,
    mesh=_mesh,
    out_type=jax.ShapeDtypeStruct((K, D, N), jnp.float32),
    scratch_types=[
        pltpu.VMEM((64,), jnp.int32),
        pltpu.VMEM((4, 16), jnp.int32),
        *[pltpu.VMEM((CH, DH, CW), jnp.float32) for _ in range(NBUF)],
        pltpu.SemaphoreType.DMA,
        pltpu.SemaphoreType.DMA,
    ],
)
def _sc_gather(in_t, ind_hbm, out_t, raw_v, idx_v, *rest):
    bufs = list(rest[:NBUF])
    gsem, wsem = rest[NBUF], rest[NBUF + 1]
    wid = lax.axis_index("s") * NC + lax.axis_index("c")
    g = wid // 4
    u = wid - g * 4
    c0 = pl.multiple_of(g * CW, CW)
    d0 = pl.multiple_of(u * (D // 4), D // 4)

    pltpu.sync_copy(ind_hbm, raw_v.at[pl.ds(0, K)])
    for c in range(4):
        v = raw_v[pl.ds(c * 16, 16)]
        idx_v[c, pl.ds(0, 16)] = lax.rem(lax.rem(v, S) + S, S)

    def gather(t):
        c, h, ds_, _, n = _TASKS[t]
        pltpu.make_async_copy(
            in_t.at[idx_v.at[c, pl.ds(h * CH, n)],
                    pl.ds(d0 + ds_ * DH, DH), pl.ds(c0, CW)],
            bufs[t % NBUF].at[pl.ds(0, n)],
            gsem,
        ).start()

    def wait_gather(t):
        _, _, _, _, n = _TASKS[t]
        pltpu.make_async_copy(
            in_t.at[pl.ds(0, n), pl.ds(0, DH), pl.ds(c0, CW)],
            bufs[t % NBUF].at[pl.ds(0, n)],
            gsem,
        ).wait()

    def write(t):
        _, _, ds_, j0, n = _TASKS[t]
        pltpu.make_async_copy(
            bufs[t % NBUF].at[pl.ds(0, n)],
            out_t.at[pl.ds(j0, n), pl.ds(d0 + ds_ * DH, DH), pl.ds(c0, CW)],
            wsem,
        ).start()

    def wait_write(t):
        _, _, _, _, n = _TASKS[t]
        pltpu.make_async_copy(
            bufs[t % NBUF].at[pl.ds(0, n)],
            out_t.at[pl.ds(0, n), pl.ds(0, DH), pl.ds(c0, CW)],
            wsem,
        ).wait()

    T = len(_TASKS)
    for t in range(min(NBUF - 1, T)):
        gather(t)
    waited = 0
    for t in range(T):
        k = t + NBUF - 1
        if k < T:
            if k - NBUF >= 0:
                wait_write(k - NBUF)
                waited = k - NBUF + 1
            gather(k)
        wait_gather(t)
        write(t)
    for t in range(waited, T):
        wait_write(t)


def kernel(inputs, indices):
    in_t = jnp.transpose(inputs, (1, 2, 0))
    out_t = _sc_gather(in_t, indices.astype(jnp.int32))
    return jnp.transpose(out_t, (2, 0, 1))

# --- scband reference (transcript-rebuilt; emitter-appended) ---
"""Pipeline reference for scband-gather-layer-74663711473964 (READ-ONLY COPY).

The authoritative reference and input builder live on the scoring server;
editing this copy changes nothing except your own understanding.
"""

import jax, jax.numpy as jnp
import numpy as np

AXIS = 1

def setup_inputs(seed: int = 0) -> dict:
    key = jax.random.key(seed)
    k1, _ = jax.random.split(key)
    inputs = jax.random.normal(k1, (4096, 200, 64), dtype=jnp.float32)
    indices = jnp.arange(-50, 0, dtype=jnp.int64)
    return {"inputs": inputs, "indices": indices}


def reference(inputs, indices):
    # Faithful translation of GatherLayer.call:
    #   max_i = shape[axis]; ind = floormod(indices + max_i, max_i); gather along axis
    max_i = inputs.shape[AXIS]
    ind = jnp.mod(indices + max_i, max_i)
    out = jnp.take(inputs, ind, axis=AXIS)
    return out

if __name__ == "__main__":
    import jax
    _d = setup_inputs()
    print(jax.jit(kernel)(*tuple(_d.values())))

</pallas_src>

<mosaic_0001>
#map = affine_map<(d0, d1) -> (0, 0, 0)>
#map1 = affine_map<(d0, d1) -> (0)>
module attributes {stable_mosaic.version = 14 : i64} {
  func.func @_sc_gather(%arg0: i32, %arg1: i32, %arg2: memref<200x64x4096xf32, #tpu.memory_space<hbm>>, %arg3: memref<50xi32, #tpu.memory_space<hbm>>, %arg4: memref<50x64x4096xf32, #tpu.memory_space<hbm>>, %arg5: memref<64xi32, #tpu.memory_space<vmem>>, %arg6: memref<4x16xi32, #tpu.memory_space<vmem>>, %arg7: memref<8x8x512xf32, #tpu.memory_space<vmem>>, %arg8: memref<8x8x512xf32, #tpu.memory_space<vmem>>, %arg9: memref<8x8x512xf32, #tpu.memory_space<vmem>>, %arg10: memref<!tpu.dma_semaphore, #tpu.memory_space<semaphore_mem>>, %arg11: memref<!tpu.dma_semaphore, #tpu.memory_space<semaphore_mem>>) attributes {dimension_semantics = [#tpu.dimension_semantics<core_parallel>, #tpu.dimension_semantics<subcore_parallel>], iteration_bounds = array<i64: 2, 16>, scalar_prefetch = 0 : i64, scratch_operands = 7 : i64, tpu.core_type = #tpu.core_type<sc_vector_subcore>, window_params = [{transform_indices = #map}, {transform_indices = #map1}, {transform_indices = #map}]} {
    %mul3A = arith.constant 2 : i32
    %mul3A_0 = arith.muli %arg1, %mul3A : i32
    %add3A = arith.addi %mul3A_0, %arg0 : i32
    %jit3A = arith.constant 4 : i32
    %div3A = arith.divsi %add3A, %jit3A : i32
    %sign3A = arith.constant 0 : i32
    %sign3A_1 = arith.cmpi sgt, %add3A, %sign3A : i32
    %sign3A_2 = arith.extui %sign3A_1 : i1 to i32
    %sign3A_3 = arith.constant 0 : i32
    %sign3A_4 = arith.cmpi slt, %add3A, %sign3A_3 : i32
    %sign3A_5 = arith.extui %sign3A_4 : i1 to i32
    %sign3A_6 = arith.subi %sign3A_2, %sign3A_5 : i32
    %sign3A_7 = arith.constant 0 : i32
    %sign3A_8 = arith.cmpi sgt, %jit3A, %sign3A_7 : i32
    %sign3A_9 = arith.extui %sign3A_8 : i1 to i32
    %sign3A_10 = arith.constant 0 : i32
    %sign3A_11 = arith.cmpi slt, %jit3A, %sign3A_10 : i32
    %sign3A_12 = arith.extui %sign3A_11 : i1 to i32
    %sign3A_13 = arith.subi %sign3A_9, %sign3A_12 : i32
    %ne3A = arith.cmpi ne, %sign3A_6, %sign3A_13 : i32
    %rem3A = arith.remsi %add3A, %jit3A : i32
    %ne3A_14 = arith.constant 0 : i32
    %ne3A_15 = arith.cmpi ne, %rem3A, %ne3A_14 : i32
    %and3A = arith.andi %ne3A, %ne3A_15 : i1
    %sub3A = arith.constant 1 : i32
    %sub3A_16 = arith.subi %div3A, %sub3A : i32
    %select_n3A = arith.select %and3A, %sub3A_16, %div3A : i32
    %mul3A_17 = arith.constant 4 : i32
    %mul3A_18 = arith.muli %select_n3A, %mul3A_17 : i32
    %sub3A_19 = arith.subi %add3A, %mul3A_18 : i32
    %mul3A_20 = arith.constant 512 : i32
    %mul3A_21 = arith.muli %select_n3A, %mul3A_20 : i32
    %multiple_of3A = tpu.assume_multiple %mul3A_21, 512 : i32
    %mul3A_22 = arith.constant 16 : i32
    %mul3A_23 = arith.muli %sub3A_19, %mul3A_22 : i32
    %multiple_of3A_24 = tpu.assume_multiple %mul3A_23, 16 : i32
    "tpu.region"() ({
      %run_scoped3A = tpu.sem_alloc : memref<!tpu.dma_semaphore, #tpu.memory_space<semaphore_mem>>
      %dma_start3A_849 = arith.constant 0 : i32
      %dma_start3A_850 = tpu.memref_slice %arg5[%dma_start3A_849] : memref<64xi32, #tpu.memory_space<vmem>> -> memref<50xi32, #tpu.memory_space<vmem>>
      %dma_start3A_851 = arith.constant 0 : i32
      %dma_start3A_852 = tpu.memref_slice %arg5[%dma_start3A_851] : memref<64xi32, #tpu.memory_space<vmem>> -> memref<50xi32, #tpu.memory_space<vmem>>
      tpu.enqueue_dma source(%arg3 : memref<50xi32, #tpu.memory_space<hbm>>) target(%dma_start3A_852 : memref<50xi32, #tpu.memory_space<vmem>>) target_semaphore(%run_scoped3A : memref<!tpu.dma_semaphore, #tpu.memory_space<semaphore_mem>>)
      %dma_wait3A_853 = arith.constant 0 : i32
      %dma_wait3A_854 = tpu.memref_slice %arg5[%dma_wait3A_853] : memref<64xi32, #tpu.memory_space<vmem>> -> memref<50xi32, #tpu.memory_space<vmem>>
      %dma_wait3A_855 = arith.constant 0 : i32
      %dma_wait3A_856 = tpu.memref_slice %arg5[%dma_wait3A_855] : memref<64xi32, #tpu.memory_space<vmem>> -> memref<50xi32, #tpu.memory_space<vmem>>
      tpu.wait_dma2 semaphore(%run_scoped3A : memref<!tpu.dma_semaphore, #tpu.memory_space<semaphore_mem>>) src(%arg3 : memref<50xi32, #tpu.memory_space<hbm>>) dst(%dma_wait3A_856 : memref<50xi32, #tpu.memory_space<vmem>>)
      tpu.yield
    }) : () -> ()
    %get3A = arith.constant 0 : index
    %get3A_25 = tpu.vector_load %arg5[%get3A] {strides = array<i32>} : memref<64xi32, #tpu.memory_space<vmem>>, vector<16xi32>,
    %get3A_26 = vector.shape_cast %get3A_25 : vector<16xi32> to vector<16xi32>
    %rem3A_27 = arith.constant 200 : i32
    %rem3A_28 = vector.broadcast %rem3A_27 : i32 to vector<16xi32>
    %rem3A_29 = arith.remsi %get3A_26, %rem3A_28 : vector<16xi32>
    %add3A_30 = arith.constant 200 : i32
    %add3A_31 = vector.broadcast %add3A_30 : i32 to vector<16xi32>
    %add3A_32 = arith.addi %rem3A_29, %add3A_31 : vector<16xi32>
    %rem3A_33 = arith.constant 200 : i32
    %rem3A_34 = vector.broadcast %rem3A_33 : i32 to vector<16xi32>
    %rem3A_35 = arith.remsi %add3A_32, %rem3A_34 : vector<16xi32>
    %swap3A = arith.constant 0 : i32
    %swap3A_36 = arith.index_cast %swap3A : i32 to index
    %swap3A_37 = arith.constant 0 : index
    %swap3A_38 = tpu.vector_load %arg6[%swap3A_36, %swap3A_37] {strides = array<i32>} : memref<4x16xi32, #tpu.memory_space<vmem>>, vector<1x16xi32>,
    %swap3A_39 = vector.shape_cast %swap3A_38 : vector<1x16xi32> to vector<16xi32>
    %swap3A_40 = vector.shape_cast %rem3A_35 : vector<16xi32> to vector<1x16xi32>
    tpu.vector_store %arg6[%swap3A_36, %swap3A_37], %swap3A_40 {strides = array<i32>} : memref<4x16xi32, #tpu.memory_space<vmem>>, vector<1x16xi32>,
    %get3A_41 = arith.constant 16 : index
    %get3A_42 = tpu.vector_load %arg5[%get3A_41] {strides = array<i32>} : memref<64xi32, #tpu.memory_space<vmem>>, vector<16xi32>,
    %get3A_43 = vector.shape_cast %get3A_42 : vector<16xi32> to vector<16xi32>
    %rem3A_44 = arith.constant 200 : i32
    %rem3A_45 = vector.broadcast %rem3A_44 : i32 to vector<16xi32>
    %rem3A_46 = arith.remsi %get3A_43, %rem3A_45 : vector<16xi32>
    %add3A_47 = arith.constant 200 : i32
    %add3A_48 = vector.broadcast %add3A_47 : i32 to vector<16xi32>
    %add3A_49 = arith.addi %rem3A_46, %add3A_48 : vector<16xi32>
    %rem3A_50 = arith.constant 200 : i32
    %rem3A_51 = vector.broadcast %rem3A_50 : i32 to vector<16xi32>
    %rem3A_52 = arith.remsi %add3A_49, %rem3A_51 : vector<16xi32>
    %swap3A_53 = arith.constant 1 : i32
    %swap3A_54 = arith.index_cast %swap3A_53 : i32 to index
    %swap3A_55 = arith.constant 0 : index
    %swap3A_56 = tpu.vector_load %arg6[%swap3A_54, %swap3A_55] {strides = array<i32>} : memref<4x16xi32, #tpu.memory_space<vmem>>, vector<1x16xi32>,
    %swap3A_57 = vector.shape_cast %swap3A_56 : vector<1x16xi32> to vector<16xi32>
    %swap3A_58 = vector.shape_cast %rem3A_52 : vector<16xi32> to vector<1x16xi32>
    tpu.vector_store %arg6[%swap3A_54, %swap3A_55], %swap3A_58 {strides = array<i32>} : memref<4x16xi32, #tpu.memory_space<vmem>>, vector<1x16xi32>,
    %get3A_59 = arith.constant 32 : index
    %get3A_60 = tpu.vector_load %arg5[%get3A_59] {strides = array<i32>} : memref<64xi32, #tpu.memory_space<vmem>>, vector<16xi32>,
    %get3A_61 = vector.shape_cast %get3A_60 : vector<16xi32> to vector<16xi32>
    %rem3A_62 = arith.constant 200 : i32
    %rem3A_63 = vector.broadcast %rem3A_62 : i32 to vector<16xi32>
    %rem3A_64 = arith.remsi %get3A_61, %rem3A_63 : vector<16xi32>
    %add3A_65 = arith.constant 200 : i32
    %add3A_66 = vector.broadcast %add3A_65 : i32 to vector<16xi32>
    %add3A_67 = arith.addi %rem3A_64, %add3A_66 : vector<16xi32>
    %rem3A_68 = arith.constant 200 : i32
    %rem3A_69 = vector.broadcast %rem3A_68 : i32 to vector<16xi32>
    %rem3A_70 = arith.remsi %add3A_67, %rem3A_69 : vector<16xi32>
    %swap3A_71 = arith.constant 2 : i32
    %swap3A_72 = arith.index_cast %swap3A_71 : i32 to index
    %swap3A_73 = arith.constant 0 : index
    %swap3A_74 = tpu.vector_load %arg6[%swap3A_72, %swap3A_73] {strides = array<i32>} : memref<4x16xi32, #tpu.memory_space<vmem>>, vector<1x16xi32>,
    %swap3A_75 = vector.shape_cast %swap3A_74 : vector<1x16xi32> to vector<16xi32>
    %swap3A_76 = vector.shape_cast %rem3A_70 : vector<16xi32> to vector<1x16xi32>
    tpu.vector_store %arg6[%swap3A_72, %swap3A_73], %swap3A_76 {strides = array<i32>} : memref<4x16xi32, #tpu.memory_space<vmem>>, vector<1x16xi32>,
    %get3A_77 = arith.constant 48 : index
    %get3A_78 = tpu.vector_load %arg5[%get3A_77] {strides = array<i32>} : memref<64xi32, #tpu.memory_space<vmem>>, vector<16xi32>,
    %get3A_79 = vector.shape_cast %get3A_78 : vector<16xi32> to vector<16xi32>
    %rem3A_80 = arith.constant 200 : i32
    %rem3A_81 = vector.broadcast %rem3A_80 : i32 to vector<16xi32>
    %rem3A_82 = arith.remsi %get3A_79, %rem3A_81 : vector<16xi32>
    %add3A_83 = arith.constant 200 : i32
    %add3A_84 = vector.broadcast %add3A_83 : i32 to vector<16xi32>
    %add3A_85 = arith.addi %rem3A_82, %add3A_84 : vector<16xi32>
    %rem3A_86 = arith.constant 200 : i32
    %rem3A_87 = vector.broadcast %rem3A_86 : i32 to vector<16xi32>
    %rem3A_88 = arith.remsi %add3A_85, %rem3A_87 : vector<16xi32>
    %swap3A_89 = arith.constant 3 : i32
    %swap3A_90 = arith.index_cast %swap3A_89 : i32 to index
    %swap3A_91 = arith.constant 0 : index
    %swap3A_92 = tpu.vector_load %arg6[%swap3A_90, %swap3A_91] {strides = array<i32>} : memref<4x16xi32, #tpu.memory_space<vmem>>, vector<1x16xi32>,
    %swap3A_93 = vector.shape_cast %swap3A_92 : vector<1x16xi32> to vector<16xi32>
    %swap3A_94 = vector.shape_cast %rem3A_88 : vector<16xi32> to vector<1x16xi32>
    tpu.vector_store %arg6[%swap3A_90, %swap3A_91], %swap3A_94 {strides = array<i32>} : memref<4x16xi32, #tpu.memory_space<vmem>>, vector<1x16xi32>,
    %add3A_95 = arith.constant 0 : i32
    %add3A_96 = arith.addi %multiple_of3A_24, %add3A_95 : i32
    %dma_start3A = arith.constant 0 : i32
    %dma_start3A_97 = arith.constant 0 : i32
    %dma_start3A_98 = arith.constant 0 : i32
    %dma_start3A_99 = arith.constant 0 : i32
    %dma_start3A_100 = tpu.memref_slice %arg7[%dma_start3A_97, %dma_start3A_98, %dma_start3A_99] : memref<8x8x512xf32, #tpu.memory_space<vmem>> -> memref<8x8x512xf32, #tpu.memory_space<vmem>>
    %dma_start3A_101 = arith.constant 0 : i32
    %dma_start3A_102 = tpu.memref_slice %arg6[%dma_start3A, %dma_start3A_101] : memref<4x16xi32, #tpu.memory_space<vmem>> -> memref<1x8xi32, #tpu.memory_space<vmem>>
    %dma_start3A_103 = tpu.memref_squeeze %dma_start3A_102 : memref<1x8xi32, #tpu.memory_space<vmem>> -> memref<8xi32, #tpu.memory_space<vmem>>
    %dma_start3A_104 = arith.constant 0 : i32
    %dma_start3A_105 = tpu.memref_slice %arg2[%dma_start3A_104, %add3A_96, %multiple_of3A] : memref<200x64x4096xf32, #tpu.memory_space<hbm>> -> memref<200x8x512xf32, #tpu.memory_space<hbm>>
    tpu.enqueue_indirect_dma source(%dma_start3A_105 : memref<200x8x512xf32, #tpu.memory_space<hbm>>) target(%dma_start3A_100 : memref<8x8x512xf32, #tpu.memory_space<vmem>>) offsets(%dma_start3A_103 : memref<8xi32, #tpu.memory_space<vmem>>) semaphore(%arg10 : memref<!tpu.dma_semaphore, #tpu.memory_space<semaphore_mem>>)
    %add3A_106 = arith.constant 8 : i32
    %add3A_107 = arith.addi %multiple_of3A_24, %add3A_106 : i32
    %dma_start3A_108 = arith.constant 0 : i32
    %dma_start3A_109 = arith.constant 0 : i32
    %dma_start3A_110 = arith.constant 0 : i32
    %dma_start3A_111 = arith.constant 0 : i32
    %dma_start3A_112 = tpu.memref_slice %arg8[%dma_start3A_109, %dma_start3A_110, %dma_start3A_111] : memref<8x8x512xf32, #tpu.memory_space<vmem>> -> memref<8x8x512xf32, #tpu.memory_space<vmem>>
    %dma_start3A_113 = arith.constant 0 : i32
    %dma_start3A_114 = tpu.memref_slice %arg6[%dma_start3A_108, %dma_start3A_113] : memref<4x16xi32, #tpu.memory_space<vmem>> -> memref<1x8xi32, #tpu.memory_space<vmem>>
    %dma_start3A_115 = tpu.memref_squeeze %dma_start3A_114 : memref<1x8xi32, #tpu.memory_space<vmem>> -> memref<8xi32, #tpu.memory_space<vmem>>
    %dma_start3A_116 = arith.constant 0 : i32
    %dma_start3A_117 = tpu.memref_slice %arg2[%dma_start3A_116, %add3A_107, %multiple_of3A] : memref<200x64x4096xf32, #tpu.memory_space<hbm>> -> memref<200x8x512xf32, #tpu.memory_space<hbm>>
    tpu.enqueue_indirect_dma source(%dma_start3A_117 : memref<200x8x512xf32, #tpu.memory_space<hbm>>) target(%dma_start3A_112 : memref<8x8x512xf32, #tpu.memory_space<vmem>>) offsets(%dma_start3A_115 : memref<8xi32, #tpu.memory_space<vmem>>) semaphore(%arg10 : memref<!tpu.dma_semaphore, #tpu.memory_space<semaphore_mem>>)
    %add3A_118 = arith.constant 0 : i32
    %add3A_119 = arith.addi %multiple_of3A_24, %add3A_118 : i32
    %dma_start3A_120 = arith.constant 0 : i32
    %dma_start3A_121 = arith.constant 0 : i32
    %dma_start3A_122 = arith.constant 0 : i32
    %dma_start3A_123 = arith.constant 0 : i32
    %dma_start3A_124 = tpu.memref_slice %arg9[%dma_start3A_121, %dma_start3A_122, %dma_start3A_123] : memref<8x8x512xf32, #tpu.memory_space<vmem>> -> memref<8x8x512xf32, #tpu.memory_space<vmem>>
    %dma_start3A_125 = arith.constant 8 : i32
    %dma_start3A_126 = tpu.memref_slice %arg6[%dma_start3A_120, %dma_start3A_125] : memref<4x16xi32, #tpu.memory_space<vmem>> -> memref<1x8xi32, #tpu.memory_space<vmem>>
    %dma_start3A_127 = tpu.memref_squeeze %dma_start3A_126 : memref<1x8xi32, #tpu.memory_space<vmem>> -> memref<8xi32, #tpu.memory_space<vmem>>
    %dma_start3A_128 = arith.constant 0 : i32
    %dma_start3A_129 = tpu.memref_slice %arg2[%dma_start3A_128, %add3A_119, %multiple_of3A] : memref<200x64x4096xf32, #tpu.memory_space<hbm>> -> memref<200x8x512xf32, #tpu.memory_space<hbm>>
    tpu.enqueue_indirect_dma source(%dma_start3A_129 : memref<200x8x512xf32, #tpu.memory_space<hbm>>) target(%dma_start3A_124 : memref<8x8x512xf32, #tpu.memory_space<vmem>>) offsets(%dma_start3A_127 : memref<8xi32, #tpu.memory_space<vmem>>) semaphore(%arg10 : memref<!tpu.dma_semaphore, #tpu.memory_space<semaphore_mem>>)
    %dma_wait3A = arith.constant 0 : i32
    %dma_wait3A_130 = arith.constant 0 : i32
    %dma_wait3A_131 = arith.constant 0 : i32
    %dma_wait3A_132 = tpu.memref_slice %arg7[%dma_wait3A, %dma_wait3A_130, %dma_wait3A_131] : memref<8x8x512xf32, #tpu.memory_space<vmem>> -> memref<8x8x512xf32, #tpu.memory_space<vmem>>
    %dma_wait3A_133 = arith.constant 0 : i32
    %dma_wait3A_134 = arith.constant 0 : i32
    %dma_wait3A_135 = tpu.memref_slice %arg2[%dma_wait3A_133, %dma_wait3A_134, %multiple_of3A] : memref<200x64x4096xf32, #tpu.memory_space<hbm>> -> memref<8x8x512xf32, #tpu.memory_space<hbm>>
    %dma_wait3A_136 = arith.constant 0 : i32
    %dma_wait3A_137 = arith.constant 0 : i32
    %dma_wait3A_138 = arith.constant 0 : i32
    %dma_wait3A_139 = tpu.memref_slice %arg7[%dma_wait3A_136, %dma_wait3A_137, %dma_wait3A_138] : memref<8x8x512xf32, #tpu.memory_space<vmem>> -> memref<8x8x512xf32, #tpu.memory_space<vmem>>
    %dma_wait3A_140 = arith.constant 0 : i32
    %dma_wait3A_141 = arith.constant 0 : i32
    %dma_wait3A_142 = tpu.memref_slice %arg2[%dma_wait3A_140, %dma_wait3A_141, %multiple_of3A] : memref<200x64x4096xf32, #tpu.memory_space<hbm>> -> memref<8x8x512xf32, #tpu.memory_space<hbm>>
    tpu.wait_dma2 semaphore(%arg10 : memref<!tpu.dma_semaphore, #tpu.memory_space<semaphore_mem>>) src(%dma_wait3A_142 : memref<8x8x512xf32, #tpu.memory_space<hbm>>) dst(%dma_wait3A_139 : memref<8x8x512xf32, #tpu.memory_space<vmem>>)
    %add3A_143 = arith.constant 0 : i32
    %add3A_144 = arith.addi %multiple_of3A_24, %add3A_143 : i32
    %dma_start3A_145 = arith.constant 0 : i32
    %dma_start3A_146 = arith.constant 0 : i32
    %dma_start3A_147 = arith.constant 0 : i32
    %dma_start3A_148 = tpu.memref_slice %arg7[%dma_start3A_145, %dma_start3A_146, %dma_start3A_147] : memref<8x8x512xf32, #tpu.memory_space<vmem>> -> memref<8x8x512xf32, #tpu.memory_space<vmem>>
    %dma_start3A_149 = arith.constant 0 : i32
    %dma_start3A_150 = tpu.memref_slice %arg4[%dma_start3A_149, %add3A_144, %multiple_of3A] : memref<50x64x4096xf32, #tpu.memory_space<hbm>> -> memref<8x8x512xf32, #tpu.memory_space<hbm>>
    %dma_start3A_151 = arith.constant 0 : i32
    %dma_start3A_152 = tpu.memref_slice %arg4[%dma_start3A_151, %add3A_144, %multiple_of3A] : memref<50x64x4096xf32, #tpu.memory_space<hbm>> -> memref<8x8x512xf32, #tpu.memory_space<hbm>>
    %dma_start3A_153 = arith.constant 0 : i32
    %dma_start3A_154 = arith.constant 0 : i32
    %dma_start3A_155 = arith.constant 0 : i32
    %dma_start3A_156 = tpu.memref_slice %arg7[%dma_start3A_153, %dma_start3A_154, %dma_start3A_155] : memref<8x8x512xf32, #tpu.memory_space<vmem>> -> memref<8x8x512xf32, #tpu.memory_space<vmem>>
    tpu.enqueue_dma source(%dma_start3A_156 : memref<8x8x512xf32, #tpu.memory_space<vmem>>) target(%dma_start3A_152 : memref<8x8x512xf32, #tpu.memory_space<hbm>>) target_semaphore(%arg11 : memref<!tpu.dma_semaphore, #tpu.memory_space<semaphore_mem>>)
    %dma_wait3A_157 = arith.constant 0 : i32
    %dma_wait3A_158 = arith.constant 0 : i32
    %dma_wait3A_159 = arith.constant 0 : i32
    %dma_wait3A_160 = tpu.memref_slice %arg7[%dma_wait3A_157, %dma_wait3A_158, %dma_wait3A_159] : memref<8x8x512xf32, #tpu.memory_space<vmem>> -> memref<8x8x512xf32, #tpu.memory_space<vmem>>
    %dma_wait3A_161 = arith.constant 0 : i32
    %dma_wait3A_162 = arith.constant 0 : i32
    %dma_wait3A_163 = tpu.memref_slice %arg4[%dma_wait3A_161, %dma_wait3A_162, %multiple_of3A] : memref<50x64x4096xf32, #tpu.memory_space<hbm>> -> memref<8x8x512xf32, #tpu.memory_space<hbm>>
    %dma_wait3A_164 = arith.constant 0 : i32
    %dma_wait3A_165 = arith.constant 0 : i32
    %dma_wait3A_166 = tpu.memref_slice %arg4[%dma_wait3A_164, %dma_wait3A_165, %multiple_of3A] : memref<50x64x4096xf32, #tpu.memory_space<hbm>> -> memref<8x8x512xf32, #tpu.memory_space<hbm>>
    %dma_wait3A_167 = arith.constant 0 : i32
    %dma_wait3A_168 = arith.constant 0 : i32
    %dma_wait3A_169 = arith.constant 0 : i32
    %dma_wait3A_170 = tpu.memref_slice %arg7[%dma_wait3A_167, %dma_wait3A_168, %dma_wait3A_169] : memref<8x8x512xf32, #tpu.memory_space<vmem>> -> memref<8x8x512xf32, #tpu.memory_space<vmem>>
    tpu.wait_dma2 semaphore(%arg11 : memref<!tpu.dma_semaphore, #tpu.memory_space<semaphore_mem>>) src(%dma_wait3A_170 : memref<8x8x512xf32, #tpu.memory_space<vmem>>) dst(%dma_wait3A_166 : memref<8x8x512xf32, #tpu.memory_space<hbm>>)
    %add3A_171 = arith.constant 8 : i32
    %add3A_172 = arith.addi %multiple_of3A_24, %add3A_171 : i32
    %dma_start3A_173 = arith.constant 0 : i32
    %dma_start3A_174 = arith.constant 0 : i32
    %dma_start3A_175 = arith.constant 0 : i32
    %dma_start3A_176 = arith.constant 0 : i32
    %dma_start3A_177 = tpu.memref_slice %arg7[%dma_start3A_174, %dma_start3A_175, %dma_start3A_176] : memref<8x8x512xf32, #tpu.memory_space<vmem>> -> memref<8x8x512xf32, #tpu.memory_space<vmem>>
    %dma_start3A_178 = arith.constant 8 : i32
    %dma_start3A_179 = tpu.memref_slice %arg6[%dma_start3A_173, %dma_start3A_178] : memref<4x16xi32, #tpu.memory_space<vmem>> -> memref<1x8xi32, #tpu.memory_space<vmem>>
    %dma_start3A_180 = tpu.memref_squeeze %dma_start3A_179 : memref<1x8xi32, #tpu.memory_space<vmem>> -> memref<8xi32, #tpu.memory_space<vmem>>
    %dma_start3A_181 = arith.constant 0 : i32
    %dma_start3A_182 = tpu.memref_slice %arg2[%dma_start3A_181, %add3A_172, %multiple_of3A] : memref<200x64x4096xf32, #tpu.memory_space<hbm>> -> memref<200x8x512xf32, #tpu.memory_space<hbm>>
    tpu.enqueue_indirect_dma source(%dma_start3A_182 : memref<200x8x512xf32, #tpu.memory_space<hbm>>) target(%dma_start3A_177 : memref<8x8x512xf32, #tpu.memory_space<vmem>>) offsets(%dma_start3A_180 : memref<8xi32, #tpu.memory_space<vmem>>) semaphore(%arg10 : memref<!tpu.dma_semaphore, #tpu.memory_space<semaphore_mem>>)
    %dma_wait3A_183 = arith.constant 0 : i32
    %dma_wait3A_184 = arith.constant 0 : i32
    %dma_wait3A_185 = arith.constant 0 : i32
    %dma_wait3A_186 = tpu.memref_slice %arg8[%dma_wait3A_183, %dma_wait3A_184, %dma_wait3A_185] : memref<8x8x512xf32, #tpu.memory_space<vmem>> -> memref<8x8x512xf32, #tpu.memory_space<vmem>>
    %dma_wait3A_187 = arith.constant 0 : i32
    %dma_wait3A_188 = arith.constant 0 : i32
    %dma_wait3A_189 = tpu.memref_slice %arg2[%dma_wait3A_187, %dma_wait3A_188, %multiple_of3A] : memref<200x64x4096xf32, #tpu.memory_space<hbm>> -> memref<8x8x512xf32, #tpu.memory_space<hbm>>
    %dma_wait3A_190 = arith.constant 0 : i32
    %dma_wait3A_191 = arith.constant 0 : i32
    %dma_wait3A_192 = arith.constant 0 : i32
    %dma_wait3A_193 = tpu.memref_slice %arg8[%dma_wait3A_190, %dma_wait3A_191, %dma_wait3A_192] : memref<8x8x512xf32, #tpu.memory_space<vmem>> -> memref<8x8x512xf32, #tpu.memory_space<vmem>>
    %dma_wait3A_194 = arith.constant 0 : i32
    %dma_wait3A_195 = arith.constant 0 : i32
    %dma_wait3A_196 = tpu.memref_slice %arg2[%dma_wait3A_194, %dma_wait3A_195, %multiple_of3A] : memref<200x64x4096xf32, #tpu.memory_space<hbm>> -> memref<8x8x512xf32, #tpu.memory_space<hbm>>
    tpu.wait_dma2 semaphore(%arg10 : memref<!tpu.dma_semaphore, #tpu.memory_space<semaphore_mem>>) src(%dma_wait3A_196 : memref<8x8x512xf32, #tpu.memory_space<hbm>>) dst(%dma_wait3A_193 : memref<8x8x512xf32, #tpu.memory_space<vmem>>)
    %add3A_197 = arith.constant 8 : i32
    %add3A_198 = arith.addi %multiple_of3A_24, %add3A_197 : i32
    %dma_start3A_199 = arith.constant 0 : i32
    %dma_start3A_200 = arith.constant 0 : i32
    %dma_start3A_201 = arith.constant 0 : i32
    %dma_start3A_202 = tpu.memref_slice %arg8[%dma_start3A_199, %dma_start3A_200, %dma_start3A_201] : memref<8x8x512xf32, #tpu.memory_space<vmem>> -> memref<8x8x512xf32, #tpu.memory_space<vmem>>
    %dma_start3A_203 = arith.constant 0 : i32
    %dma_start3A_204 = tpu.memref_slice %arg4[%dma_start3A_203, %add3A_198, %multiple_of3A] : memref<50x64x4096xf32, #tpu.memory_space<hbm>> -> memref<8x8x512xf32, #tpu.memory_space<hbm>>
    %dma_start3A_205 = arith.constant 0 : i32
    %dma_start3A_206 = tpu.memref_slice %arg4[%dma_start3A_205, %add3A_198, %multiple_of3A] : memref<50x64x4096xf32, #tpu.memory_space<hbm>> -> memref<8x8x512xf32, #tpu.memory_space<hbm>>
    %dma_start3A_207 = arith.constant 0 : i32
    %dma_start3A_208 = arith.constant 0 : i32
    %dma_start3A_209 = arith.constant 0 : i32
    %dma_start3A_210 = tpu.memref_slice %arg8[%dma_start3A_207, %dma_start3A_208, %dma_start3A_209] : memref<8x8x512xf32, #tpu.memory_space<vmem>> -> memref<8x8x512xf32, #tpu.memory_space<vmem>>
    tpu.enqueue_dma source(%dma_start3A_210 : memref<8x8x512xf32, #tpu.memory_space<vmem>>) target(%dma_start3A_206 : memref<8x8x512xf32, #tpu.memory_space<hbm>>) target_semaphore(%arg11 : memref<!tpu.dma_semaphore, #tpu.memory_space<semaphore_mem>>)
    %dma_wait3A_211 = arith.constant 0 : i32
    %dma_wait3A_212 = arith.constant 0 : i32
    %dma_wait3A_213 = arith.constant 0 : i32
    %dma_wait3A_214 = tpu.memref_slice %arg8[%dma_wait3A_211, %dma_wait3A_212, %dma_wait3A_213] : memref<8x8x512xf32, #tpu.memory_space<vmem>> -> memref<8x8x512xf32, #tpu.memory_space<vmem>>
    %dma_wait3A_215 = arith.constant 0 : i32
    %dma_wait3A_216 = arith.constant 0 : i32
    %dma_wait3A_217 = tpu.memref_slice %arg4[%dma_wait3A_215, %dma_wait3A_216, %multiple_of3A] : memref<50x64x4096xf32, #tpu.memory_space<hbm>> -> memref<8x8x512xf32, #tpu.memory_space<hbm>>
    %dma_wait3A_218 = arith.constant 0 : i32
    %dma_wait3A_219 = arith.constant 0 : i32
    %dma_wait3A_220 = tpu.memref_slice %arg4[%dma_wait3A_218, %dma_wait3A_219, %multiple_of3A] : memref<50x64x4096xf32, #tpu.memory_space<hbm>> -> memref<8x8x512xf32, #tpu.memory_space<hbm>>
    %dma_wait3A_221 = arith.constant 0 : i32
    %dma_wait3A_222 = arith.constant 0 : i32
    %dma_wait3A_223 = arith.constant 0 : i32
    %dma_wait3A_224 = tpu.memref_slice %arg8[%dma_wait3A_221, %dma_wait3A_222, %dma_wait3A_223] : memref<8x8x512xf32, #tpu.memory_space<vmem>> -> memref<8x8x512xf32, #tpu.memory_space<vmem>>
    tpu.wait_dma2 semaphore(%arg11 : memref<!tpu.dma_semaphore, #tpu.memory_space<semaphore_mem>>) src(%dma_wait3A_224 : memref<8x8x512xf32, #tpu.memory_space<vmem>>) dst(%dma_wait3A_220 : memref<8x8x512xf32, #tpu.memory_space<hbm>>)
    %add3A_225 = arith.constant 0 : i32
    %add3A_226 = arith.addi %multiple_of3A_24, %add3A_225 : i32
    %dma_start3A_227 = arith.constant 1 : i32
    %dma_start3A_228 = arith.constant 0 : i32
    %dma_start3A_229 = arith.constant 0 : i32
    %dma_start3A_230 = arith.constant 0 : i32
    %dma_start3A_231 = tpu.memref_slice %arg8[%dma_start3A_228, %dma_start3A_229, %dma_start3A_230] : memref<8x8x512xf32, #tpu.memory_space<vmem>> -> memref<8x8x512xf32, #tpu.memory_space<vmem>>
    %dma_start3A_232 = arith.constant 0 : i32
    %dma_start3A_233 = tpu.memref_slice %arg6[%dma_start3A_227, %dma_start3A_232] : memref<4x16xi32, #tpu.memory_space<vmem>> -> memref<1x8xi32, #tpu.memory_space<vmem>>
    %dma_start3A_234 = tpu.memref_squeeze %dma_start3A_233 : memref<1x8xi32, #tpu.memory_space<vmem>> -> memref<8xi32, #tpu.memory_space<vmem>>
    %dma_start3A_235 = arith.constant 0 : i32
    %dma_start3A_236 = tpu.memref_slice %arg2[%dma_start3A_235, %add3A_226, %multiple_of3A] : memref<200x64x4096xf32, #tpu.memory_space<hbm>> -> memref<200x8x512xf32, #tpu.memory_space<hbm>>
    tpu.enqueue_indirect_dma source(%dma_start3A_236 : memref<200x8x512xf32, #tpu.memory_space<hbm>>) target(%dma_start3A_231 : memref<8x8x512xf32, #tpu.memory_space<vmem>>) offsets(%dma_start3A_234 : memref<8xi32, #tpu.memory_space<vmem>>) semaphore(%arg10 : memref<!tpu.dma_semaphore, #tpu.memory_space<semaphore_mem>>)
    %dma_wait3A_237 = arith.constant 0 : i32
    %dma_wait3A_238 = arith.constant 0 : i32
    %dma_wait3A_239 = arith.constant 0 : i32
    %dma_wait3A_240 = tpu.memref_slice %arg9[%dma_wait3A_237, %dma_wait3A_238, %dma_wait3A_239] : memref<8x8x512xf32, #tpu.memory_space<vmem>> -> memref<8x8x512xf32, #tpu.memory_space<vmem>>
    %dma_wait3A_241 = arith.constant 0 : i32
    %dma_wait3A_242 = arith.constant 0 : i32
    %dma_wait3A_243 = tpu.memref_slice %arg2[%dma_wait3A_241, %dma_wait3A_242, %multiple_of3A] : memref<200x64x4096xf32, #tpu.memory_space<hbm>> -> memref<8x8x512xf32, #tpu.memory_space<hbm>>
    %dma_wait3A_244 = arith.constant 0 : i32
    %dma_wait3A_245 = arith.constant 0 : i32
    %dma_wait3A_246 = arith.constant 0 : i32
    %dma_wait3A_247 = tpu.memref_slice %arg9[%dma_wait3A_244, %dma_wait3A_245, %dma_wait3A_246] : memref<8x8x512xf32, #tpu.memory_space<vmem>> -> memref<8x8x512xf32, #tpu.memory_space<vmem>>
    %dma_wait3A_248 = arith.constant 0 : i32
    %dma_wait3A_249 = arith.constant 0 : i32
    %dma_wait3A_250 = tpu.memref_slice %arg2[%dma_wait3A_248, %dma_wait3A_249, %multiple_of3A] : memref<200x64x4096xf32, #tpu.memory_space<hbm>> -> memref<8x8x512xf32, #tpu.memory_space<hbm>>
    tpu.wait_dma2 semaphore(%arg10 : memref<!tpu.dma_semaphore, #tpu.memory_space<semaphore_mem>>) src(%dma_wait3A_250 : memref<8x8x512xf32, #tpu.memory_space<hbm>>) dst(%dma_wait3A_247 : memref<8x8x512xf32, #tpu.memory_space<vmem>>)
    %add3A_251 = arith.constant 0 : i32
    %add3A_252 = arith.addi %multiple_of3A_24, %add3A_251 : i32
    %dma_start3A_253 = arith.constant 0 : i32
    %dma_start3A_254 = arith.constant 0 : i32
    %dma_start3A_255 = arith.constant 0 : i32
    %dma_start3A_256 = tpu.memref_slice %arg9[%dma_start3A_253, %dma_start3A_254, %dma_start3A_255] : memref<8x8x512xf32, #tpu.memory_space<vmem>> -> memref<8x8x512xf32, #tpu.memory_space<vmem>>
    %dma_start3A_257 = arith.constant 8 : i32
    %dma_start3A_258 = tpu.memref_slice %arg4[%dma_start3A_257, %add3A_252, %multiple_of3A] : memref<50x64x4096xf32, #tpu.memory_space<hbm>> -> memref<8x8x512xf32, #tpu.memory_space<hbm>>
    %dma_start3A_259 = arith.constant 8 : i32
    %dma_start3A_260 = tpu.memref_slice %arg4[%dma_start3A_259, %add3A_252, %multiple_of3A] : memref<50x64x4096xf32, #tpu.memory_space<hbm>> -> memref<8x8x512xf32, #tpu.memory_space<hbm>>
    %dma_start3A_261 = arith.constant 0 : i32
    %dma_start3A_262 = arith.constant 0 : i32
    %dma_start3A_263 = arith.constant 0 : i32
    %dma_start3A_264 = tpu.memref_slice %arg9[%dma_start3A_261, %dma_start3A_262, %dma_start3A_263] : memref<8x8x512xf32, #tpu.memory_space<vmem>> -> memref<8x8x512xf32, #tpu.memory_space<vmem>>
    tpu.enqueue_dma source(%dma_start3A_264 : memref<8x8x512xf32, #tpu.memory_space<vmem>>) target(%dma_start3A_260 : memref<8x8x512xf32, #tpu.memory_space<hbm>>) target_semaphore(%arg11 : memref<!tpu.dma_semaphore, #tpu.memory_space<semaphore_mem>>)
    %dma_wait3A_265 = arith.constant 0 : i32
    %dma_wait3A_266 = arith.constant 0 : i32
    %dma_wait3A_267 = arith.constant 0 : i32
    %dma_wait3A_268 = tpu.memref_slice %arg9[%dma_wait3A_265, %dma_wait3A_266, %dma_wait3A_267] : memref<8x8x512xf32, #tpu.memory_space<vmem>> -> memref<8x8x512xf32, #tpu.memory_space<vmem>>
    %dma_wait3A_269 = arith.constant 0 : i32
    %dma_wait3A_270 = arith.constant 0 : i32
    %dma_wait3A_271 = tpu.memref_slice %arg4[%dma_wait3A_269, %dma_wait3A_270, %multiple_of3A] : memref<50x64x4096xf32, #tpu.memory_space<hbm>> -> memref<8x8x512xf32, #tpu.memory_space<hbm>>
    %dma_wait3A_272 = arith.constant 0 : i32
    %dma_wait3A_273 = arith.constant 0 : i32
    %dma_wait3A_274 = tpu.memref_slice %arg4[%dma_wait3A_272, %dma_wait3A_273, %multiple_of3A] : memref<50x64x4096xf32, #tpu.memory_space<hbm>> -> memref<8x8x512xf32, #tpu.memory_space<hbm>>
    %dma_wait3A_275 = arith.constant 0 : i32
    %dma_wait3A_276 = arith.constant 0 : i32
    %dma_wait3A_277 = arith.constant 0 : i32
    %dma_wait3A_278 = tpu.memref_slice %arg9[%dma_wait3A_275, %dma_wait3A_276, %dma_wait3A_277] : memref<8x8x512xf32, #tpu.memory_space<vmem>> -> memref<8x8x512xf32, #tpu.memory_space<vmem>>
    tpu.wait_dma2 semaphore(%arg11 : memref<!tpu.dma_semaphore, #tpu.memory_space<semaphore_mem>>) src(%dma_wait3A_278 : memref<8x8x512xf32, #tpu.memory_space<vmem>>) dst(%dma_wait3A_274 : memref<8x8x512xf32, #tpu.memory_space<hbm>>)
    %add3A_279 = arith.constant 8 : i32
    %add3A_280 = arith.addi %multiple_of3A_24, %add3A_279 : i32
    %dma_start3A_281 = arith.constant 1 : i32
    %dma_start3A_282 = arith.constant 0 : i32
    %dma_start3A_283 = arith.constant 0 : i32
    %dma_start3A_284 = arith.constant 0 : i32
    %dma_start3A_285 = tpu.memref_slice %arg9[%dma_start3A_282, %dma_start3A_283, %dma_start3A_284] : memref<8x8x512xf32, #tpu.memory_space<vmem>> -> memref<8x8x512xf32, #tpu.memory_space<vmem>>
    %dma_start3A_286 = arith.constant 0 : i32
    %dma_start3A_287 = tpu.memref_slice %arg6[%dma_start3A_281, %dma_start3A_286] : memref<4x16xi32, #tpu.memory_space<vmem>> -> memref<1x8xi32, #tpu.memory_space<vmem>>
    %dma_start3A_288 = tpu.memref_squeeze %dma_start3A_287 : memref<1x8xi32, #tpu.memory_space<vmem>> -> memref<8xi32, #tpu.memory_space<vmem>>
    %dma_start3A_289 = arith.constant 0 : i32
    %dma_start3A_290 = tpu.memref_slice %arg2[%dma_start3A_289, %add3A_280, %multiple_of3A] : memref<200x64x4096xf32, #tpu.memory_space<hbm>> -> memref<200x8x512xf32, #tpu.memory_space<hbm>>
    tpu.enqueue_indirect_dma source(%dma_start3A_290 : memref<200x8x512xf32, #tpu.memory_space<hbm>>) target(%dma_start3A_285 : memref<8x8x512xf32, #tpu.memory_space<vmem>>) offsets(%dma_start3A_288 : memref<8xi32, #tpu.memory_space<vmem>>) semaphore(%arg10 : memref<!tpu.dma_semaphore, #tpu.memory_space<semaphore_mem>>)
    %dma_wait3A_291 = arith.constant 0 : i32
    %dma_wait3A_292 = arith.constant 0 : i32
    %dma_wait3A_293 = arith.constant 0 : i32
    %dma_wait3A_294 = tpu.memref_slice %arg7[%dma_wait3A_291, %dma_wait3A_292, %dma_wait3A_293] : memref<8x8x512xf32, #tpu.memory_space<vmem>> -> memref<8x8x512xf32, #tpu.memory_space<vmem>>
    %dma_wait3A_295 = arith.constant 0 : i32
    %dma_wait3A_296 = arith.constant 0 : i32
    %dma_wait3A_297 = tpu.memref_slice %arg2[%dma_wait3A_295, %dma_wait3A_296, %multiple_of3A] : memref<200x64x4096xf32, #tpu.memory_space<hbm>> -> memref<8x8x512xf32, #tpu.memory_space<hbm>>
    %dma_wait3A_298 = arith.constant 0 : i32
    %dma_wait3A_299 = arith.constant 0 : i32
    %dma_wait3A_300 = arith.constant 0 : i32
    %dma_wait3A_301 = tpu.memref_slice %arg7[%dma_wait3A_298, %dma_wait3A_299, %dma_wait3A_300] : memref<8x8x512xf32, #tpu.memory_space<vmem>> -> memref<8x8x512xf32, #tpu.memory_space<vmem>>
    %dma_wait3A_302 = arith.constant 0 : i32
    %dma_wait3A_303 = arith.constant 0 : i32
    %dma_wait3A_304 = tpu.memref_slice %arg2[%dma_wait3A_302, %dma_wait3A_303, %multiple_of3A] : memref<200x64x4096xf32, #tpu.memory_space<hbm>> -> memref<8x8x512xf32, #tpu.memory_space<hbm>>
    tpu.wait_dma2 semaphore(%arg10 : memref<!tpu.dma_semaphore, #tpu.memory_space<semaphore_mem>>) src(%dma_wait3A_304 : memref<8x8x512xf32, #tpu.memory_space<hbm>>) dst(%dma_wait3A_301 : memref<8x8x512xf32, #tpu.memory_space<vmem>>)
    %add3A_305 = arith.constant 8 : i32
    %add3A_306 = arith.addi %multiple_of3A_24, %add3A_305 : i32
    %dma_start3A_307 = arith.constant 0 : i32
    %dma_start3A_308 = arith.constant 0 : i32
    %dma_start3A_309 = arith.constant 0 : i32
    %dma_start3A_310 = tpu.memref_slice %arg7[%dma_start3A_307, %dma_start3A_308, %dma_start3A_309] : memref<8x8x512xf32, #tpu.memory_space<vmem>> -> memref<8x8x512xf32, #tpu.memory_space<vmem>>
    %dma_start3A_311 = arith.constant 8 : i32
    %dma_start3A_312 = tpu.memref_slice %arg4[%dma_start3A_311, %add3A_306, %multiple_of3A] : memref<50x64x4096xf32, #tpu.memory_space<hbm>> -> memref<8x8x512xf32, #tpu.memory_space<hbm>>
    %dma_start3A_313 = arith.constant 8 : i32
    %dma_start3A_314 = tpu.memref_slice %arg4[%dma_start3A_313, %add3A_306, %multiple_of3A] : memref<50x64x4096xf32, #tpu.memory_space<hbm>> -> memref<8x8x512xf32, #tpu.memory_space<hbm>>
    %dma_start3A_315 = arith.constant 0 : i32
    %dma_start3A_316 = arith.constant 0 : i32
    %dma_start3A_317 = arith.constant 0 : i32
    %dma_start3A_318 = tpu.memref_slice %arg7[%dma_start3A_315, %dma_start3A_316, %dma_start3A_317] : memref<8x8x512xf32, #tpu.memory_space<vmem>> -> memref<8x8x512xf32, #tpu.memory_space<vmem>>
    tpu.enqueue_dma source(%dma_start3A_318 : memref<8x8x512xf32, #tpu.memory_space<vmem>>) target(%dma_start3A_314 : memref<8x8x512xf32, #tpu.memory_space<hbm>>) target_semaphore(%arg11 : memref<!tpu.dma_semaphore, #tpu.memory_space<semaphore_mem>>)
    %dma_wait3A_319 = arith.constant 0 : i32
    %dma_wait3A_320 = arith.constant 0 : i32
    %dma_wait3A_321 = arith.constant 0 : i32
    %dma_wait3A_322 = tpu.memref_slice %arg7[%dma_wait3A_319, %dma_wait3A_320, %dma_wait3A_321] : memref<8x8x512xf32, #tpu.memory_space<vmem>> -> memref<8x8x512xf32, #tpu.memory_space<vmem>>
    %dma_wait3A_323 = arith.constant 0 : i32
    %dma_wait3A_324 = arith.constant 0 : i32
    %dma_wait3A_325 = tpu.memref_slice %arg4[%dma_wait3A_323, %dma_wait3A_324, %multiple_of3A] : memref<50x64x4096xf32, #tpu.memory_space<hbm>> -> memref<8x8x512xf32, #tpu.memory_space<hbm>>
    %dma_wait3A_326 = arith.constant 0 : i32
    %dma_wait3A_327 = arith.constant 0 : i32
    %dma_wait3A_328 = tpu.memref_slice %arg4[%dma_wait3A_326, %dma_wait3A_327, %multiple_of3A] : memref<50x64x4096xf32, #tpu.memory_space<hbm>> -> memref<8x8x512xf32, #tpu.memory_space<hbm>>
    %dma_wait3A_329 = arith.constant 0 : i32
    %dma_wait3A_330 = arith.constant 0 : i32
    %dma_wait3A_331 = arith.constant 0 : i32
    %dma_wait3A_332 = tpu.memref_slice %arg7[%dma_wait3A_329, %dma_wait3A_330, %dma_wait3A_331] : memref<8x8x512xf32, #tpu.memory_space<vmem>> -> memref<8x8x512xf32, #tpu.memory_space<vmem>>
    tpu.wait_dma2 semaphore(%arg11 : memref<!tpu.dma_semaphore, #tpu.memory_space<semaphore_mem>>) src(%dma_wait3A_332 : memref<8x8x512xf32, #tpu.memory_space<vmem>>) dst(%dma_wait3A_328 : memref<8x8x512xf32, #tpu.memory_space<hbm>>)
    %add3A_333 = arith.constant 0 : i32
    %add3A_334 = arith.addi %multiple_of3A_24, %add3A_333 : i32
    %dma_start3A_335 = arith.constant 1 : i32
    %dma_start3A_336 = arith.constant 0 : i32
    %dma_start3A_337 = arith.constant 0 : i32
    %dma_start3A_338 = arith.constant 0 : i32
    %dma_start3A_339 = tpu.memref_slice %arg7[%dma_start3A_336, %dma_start3A_337, %dma_start3A_338] : memref<8x8x512xf32, #tpu.memory_space<vmem>> -> memref<8x8x512xf32, #tpu.memory_space<vmem>>
    %dma_start3A_340 = arith.constant 8 : i32
    %dma_start3A_341 = tpu.memref_slice %arg6[%dma_start3A_335, %dma_start3A_340] : memref<4x16xi32, #tpu.memory_space<vmem>> -> memref<1x8xi32, #tpu.memory_space<vmem>>
    %dma_start3A_342 = tpu.memref_squeeze %dma_start3A_341 : memref<1x8xi32, #tpu.memory_space<vmem>> -> memref<8xi32, #tpu.memory_space<vmem>>
    %dma_start3A_343 = arith.constant 0 : i32
    %dma_start3A_344 = tpu.memref_slice %arg2[%dma_start3A_343, %add3A_334, %multiple_of3A] : memref<200x64x4096xf32, #tpu.memory_space<hbm>> -> memref<200x8x512xf32, #tpu.memory_space<hbm>>
    tpu.enqueue_indirect_dma source(%dma_start3A_344 : memref<200x8x512xf32, #tpu.memory_space<hbm>>) target(%dma_start3A_339 : memref<8x8x512xf32, #tpu.memory_space<vmem>>) offsets(%dma_start3A_342 : memref<8xi32, #tpu.memory_space<vmem>>) semaphore(%arg10 : memref<!tpu.dma_semaphore, #tpu.memory_space<semaphore_mem>>)
    %dma_wait3A_345 = arith.constant 0 : i32
    %dma_wait3A_346 = arith.constant 0 : i32
    %dma_wait3A_347 = arith.constant 0 : i32
    %dma_wait3A_348 = tpu.memref_slice %arg8[%dma_wait3A_345, %dma_wait3A_346, %dma_wait3A_347] : memref<8x8x512xf32, #tpu.memory_space<vmem>> -> memref<8x8x512xf32, #tpu.memory_space<vmem>>
    %dma_wait3A_349 = arith.constant 0 : i32
    %dma_wait3A_350 = arith.constant 0 : i32
    %dma_wait3A_351 = tpu.memref_slice %arg2[%dma_wait3A_349, %dma_wait3A_350, %multiple_of3A] : memref<200x64x4096xf32, #tpu.memory_space<hbm>> -> memref<8x8x512xf32, #tpu.memory_space<hbm>>
    %dma_wait3A_352 = arith.constant 0 : i32
    %dma_wait3A_353 = arith.constant 0 : i32
    %dma_wait3A_354 = arith.constant 0 : i32
    %dma_wait3A_355 = tpu.memref_slice %arg8[%dma_wait3A_352, %dma_wait3A_353, %dma_wait3A_354] : memref<8x8x512xf32, #tpu.memory_space<vmem>> -> memref<8x8x512xf32, #tpu.memory_space<vmem>>
    %dma_wait3A_356 = arith.constant 0 : i32
    %dma_wait3A_357 = arith.constant 0 : i32
    %dma_wait3A_358 = tpu.memref_slice %arg2[%dma_wait3A_356, %dma_wait3A_357, %multiple_of3A] : memref<200x64x4096xf32, #tpu.memory_space<hbm>> -> memref<8x8x512xf32, #tpu.memory_space<hbm>>
    tpu.wait_dma2 semaphore(%arg10 : memref<!tpu.dma_semaphore, #tpu.memory_space<semaphore_mem>>) src(%dma_wait3A_358 : memref<8x8x512xf32, #tpu.memory_space<hbm>>) dst(%dma_wait3A_355 : memref<8x8x512xf32, #tpu.memory_space<vmem>>)
    %add3A_359 = arith.constant 0 : i32
    %add3A_360 = arith.addi %multiple_of3A_24, %add3A_359 : i32
    %dma_start3A_361 = arith.constant 0 : i32
    %dma_start3A_362 = arith.constant 0 : i32
    %dma_start3A_363 = arith.constant 0 : i32
    %dma_start3A_364 = tpu.memref_slice %arg8[%dma_start3A_361, %dma_start3A_362, %dma_start3A_363] : memref<8x8x512xf32, #tpu.memory_space<vmem>> -> memref<8x8x512xf32, #tpu.memory_space<vmem>>
    %dma_start3A_365 = arith.constant 16 : i32
    %dma_start3A_366 = tpu.memref_slice %arg4[%dma_start3A_365, %add3A_360, %multiple_of3A] : memref<50x64x4096xf32, #tpu.memory_space<hbm>> -> memref<8x8x512xf32, #tpu.memory_space<hbm>>
    %dma_start3A_367 = arith.constant 16 : i32
    %dma_start3A_368 = tpu.memref_slice %arg4[%dma_start3A_367, %add3A_360, %multiple_of3A] : memref<50x64x4096xf32, #tpu.memory_space<hbm>> -> memref<8x8x512xf32, #tpu.memory_space<hbm>>
    %dma_start3A_369 = arith.constant 0 : i32
    %dma_start3A_370 = arith.constant 0 : i32
    %dma_start3A_371 = arith.constant 0 : i32
    %dma_start3A_372 = tpu.memref_slice %arg8[%dma_start3A_369, %dma_start3A_370, %dma_start3A_371] : memref<8x8x512xf32, #tpu.memory_space<vmem>> -> memref<8x8x512xf32, #tpu.memory_space<vmem>>
    tpu.enqueue_dma source(%dma_start3A_372 : memref<8x8x512xf32, #tpu.memory_space<vmem>>) target(%dma_start3A_368 : memref<8x8x512xf32, #tpu.memory_space<hbm>>) target_semaphore(%arg11 : memref<!tpu.dma_semaphore, #tpu.memory_space<semaphore_mem>>)
    %dma_wait3A_373 = arith.constant 0 : i32
    %dma_wait3A_374 = arith.constant 0 : i32
    %dma_wait3A_375 = arith.constant 0 : i32
    %dma_wait3A_376 = tpu.memref_slice %arg8[%dma_wait3A_373, %dma_wait3A_374, %dma_wait3A_375] : memref<8x8x512xf32, #tpu.memory_space<vmem>> -> memref<8x8x512xf32, #tpu.memory_space<vmem>>
    %dma_wait3A_377 = arith.constant 0 : i32
    %dma_wait3A_378 = arith.constant 0 : i32
    %dma_wait3A_379 = tpu.memref_slice %arg4[%dma_wait3A_377, %dma_wait3A_378, %multiple_of3A] : memref<50x64x4096xf32, #tpu.memory_space<hbm>> -> memref<8x8x512xf32, #tpu.memory_space<hbm>>
    %dma_wait3A_380 = arith.constant 0 : i32
    %dma_wait3A_381 = arith.constant 0 : i32
    %dma_wait3A_382 = tpu.memref_slice %arg4[%dma_wait3A_380, %dma_wait3A_381, %multiple_of3A] : memref<50x64x4096xf32, #tpu.memory_space<hbm>> -> memref<8x8x512xf32, #tpu.memory_space<hbm>>
    %dma_wait3A_383 = arith.constant 0 : i32
    %dma_wait3A_384 = arith.constant 0 : i32
    %dma_wait3A_385 = arith.constant 0 : i32
    %dma_wait3A_386 = tpu.memref_slice %arg8[%dma_wait3A_383, %dma_wait3A_384, %dma_wait3A_385] : memref<8x8x512xf32, #tpu.memory_space<vmem>> -> memref<8x8x512xf32, #tpu.memory_space<vmem>>
    tpu.wait_dma2 semaphore(%arg11 : memref<!tpu.dma_semaphore, #tpu.memory_space<semaphore_mem>>) src(%dma_wait3A_386 : memref<8x8x512xf32, #tpu.memory_space<vmem>>) dst(%dma_wait3A_382 : memref<8x8x512xf32, #tpu.memory_space<hbm>>)
    %add3A_387 = arith.constant 8 : i32
    %add3A_388 = arith.addi %multiple_of3A_24, %add3A_387 : i32
    %dma_start3A_389 = arith.constant 1 : i32
    %dma_start3A_390 = arith.constant 0 : i32
    %dma_start3A_391 = arith.constant 0 : i32
    %dma_start3A_392 = arith.constant 0 : i32
    %dma_start3A_393 = tpu.memref_slice %arg8[%dma_start3A_390, %dma_start3A_391, %dma_start3A_392] : memref<8x8x512xf32, #tpu.memory_space<vmem>> -> memref<8x8x512xf32, #tpu.memory_space<vmem>>
    %dma_start3A_394 = arith.constant 8 : i32
    %dma_start3A_395 = tpu.memref_slice %arg6[%dma_start3A_389, %dma_start3A_394] : memref<4x16xi32, #tpu.memory_space<vmem>> -> memref<1x8xi32, #tpu.memory_space<vmem>>
    %dma_start3A_396 = tpu.memref_squeeze %dma_start3A_395 : memref<1x8xi32, #tpu.memory_space<vmem>> -> memref<8xi32, #tpu.memory_space<vmem>>
    %dma_start3A_397 = arith.constant 0 : i32
    %dma_start3A_398 = tpu.memref_slice %arg2[%dma_start3A_397, %add3A_388, %multiple_of3A] : memref<200x64x4096xf32, #tpu.memory_space<hbm>> -> memref<200x8x512xf32, #tpu.memory_space<hbm>>
    tpu.enqueue_indirect_dma source(%dma_start3A_398 : memref<200x8x512xf32, #tpu.memory_space<hbm>>) target(%dma_start3A_393 : memref<8x8x512xf32, #tpu.memory_space<vmem>>) offsets(%dma_start3A_396 : memref<8xi32, #tpu.memory_space<vmem>>) semaphore(%arg10 : memref<!tpu.dma_semaphore, #tpu.memory_space<semaphore_mem>>)
    %dma_wait3A_399 = arith.constant 0 : i32
    %dma_wait3A_400 = arith.constant 0 : i32
    %dma_wait3A_401 = arith.constant 0 : i32
    %dma_wait3A_402 = tpu.memref_slice %arg9[%dma_wait3A_399, %dma_wait3A_400, %dma_wait3A_401] : memref<8x8x512xf32, #tpu.memory_space<vmem>> -> memref<8x8x512xf32, #tpu.memory_space<vmem>>
    %dma_wait3A_403 = arith.constant 0 : i32
    %dma_wait3A_404 = arith.constant 0 : i32
    %dma_wait3A_405 = tpu.memref_slice %arg2[%dma_wait3A_403, %dma_wait3A_404, %multiple_of3A] : memref<200x64x4096xf32, #tpu.memory_space<hbm>> -> memref<8x8x512xf32, #tpu.memory_space<hbm>>
    %dma_wait3A_406 = arith.constant 0 : i32
    %dma_wait3A_407 = arith.constant 0 : i32
    %dma_wait3A_408 = arith.constant 0 : i32
    %dma_wait3A_409 = tpu.memref_slice %arg9[%dma_wait3A_406, %dma_wait3A_407, %dma_wait3A_408] : memref<8x8x512xf32, #tpu.memory_space<vmem>> -> memref<8x8x512xf32, #tpu.memory_space<vmem>>
    %dma_wait3A_410 = arith.constant 0 : i32
    %dma_wait3A_411 = arith.constant 0 : i32
    %dma_wait3A_412 = tpu.memref_slice %arg2[%dma_wait3A_410, %dma_wait3A_411, %multiple_of3A] : memref<200x64x4096xf32, #tpu.memory_space<hbm>> -> memref<8x8x512xf32, #tpu.memory_space<hbm>>
    tpu.wait_dma2 semaphore(%arg10 : memref<!tpu.dma_semaphore, #tpu.memory_space<semaphore_mem>>) src(%dma_wait3A_412 : memref<8x8x512xf32, #tpu.memory_space<hbm>>) dst(%dma_wait3A_409 : memref<8x8x512xf32, #tpu.memory_space<vmem>>)
    %add3A_413 = arith.constant 8 : i32
    %add3A_414 = arith.addi %multiple_of3A_24, %add3A_413 : i32
    %dma_start3A_415 = arith.constant 0 : i32
    %dma_start3A_416 = arith.constant 0 : i32
    %dma_start3A_417 = arith.constant 0 : i32
    %dma_start3A_418 = tpu.memref_slice %arg9[%dma_start3A_415, %dma_start3A_416, %dma_start3A_417] : memref<8x8x512xf32, #tpu.memory_space<vmem>> -> memref<8x8x512xf32, #tpu.memory_space<vmem>>
    %dma_start3A_419 = arith.constant 16 : i32
    %dma_start3A_420 = tpu.memref_slice %arg4[%dma_start3A_419, %add3A_414, %multiple_of3A] : memref<50x64x4096xf32, #tpu.memory_space<hbm>> -> memref<8x8x512xf32, #tpu.memory_space<hbm>>
    %dma_start3A_421 = arith.constant 16 : i32
    %dma_start3A_422 = tpu.memref_slice %arg4[%dma_start3A_421, %add3A_414, %multiple_of3A] : memref<50x64x4096xf32, #tpu.memory_space<hbm>> -> memref<8x8x512xf32, #tpu.memory_space<hbm>>
    %dma_start3A_423 = arith.constant 0 : i32
    %dma_start3A_424 = arith.constant 0 : i32
    %dma_start3A_425 = arith.constant 0 : i32
    %dma_start3A_426 = tpu.memref_slice %arg9[%dma_start3A_423, %dma_start3A_424, %dma_start3A_425] : memref<8x8x512xf32, #tpu.memory_space<vmem>> -> memref<8x8x512xf32, #tpu.memory_space<vmem>>
    tpu.enqueue_dma source(%dma_start3A_426 : memref<8x8x512xf32, #tpu.memory_space<vmem>>) target(%dma_start3A_422 : memref<8x8x512xf32, #tpu.memory_space<hbm>>) target_semaphore(%arg11 : memref<!tpu.dma_semaphore, #tpu.memory_space<semaphore_mem>>)
    %dma_wait3A_427 = arith.constant 0 : i32
    %dma_wait3A_428 = arith.constant 0 : i32
    %dma_wait3A_429 = arith.constant 0 : i32
    %dma_wait3A_430 = tpu.memref_slice %arg9[%dma_wait3A_427, %dma_wait3A_428, %dma_wait3A_429] : memref<8x8x512xf32, #tpu.memory_space<vmem>> -> memref<8x8x512xf32, #tpu.memory_space<vmem>>
    %dma_wait3A_431 = arith.constant 0 : i32
    %dma_wait3A_432 = arith.constant 0 : i32
    %dma_wait3A_433 = tpu.memref_slice %arg4[%dma_wait3A_431, %dma_wait3A_432, %multiple_of3A] : memref<50x64x4096xf32, #tpu.memory_space<hbm>> -> memref<8x8x512xf32, #tpu.memory_space<hbm>>
    %dma_wait3A_434 = arith.constant 0 : i32
    %dma_wait3A_435 = arith.constant 0 : i32
    %dma_wait3A_436 = tpu.memref_slice %arg4[%dma_wait3A_434, %dma_wait3A_435, %multiple_of3A] : memref<50x64x4096xf32, #tpu.memory_space<hbm>> -> memref<8x8x512xf32, #tpu.memory_space<hbm>>
    %dma_wait3A_437 = arith.constant 0 : i32
    %dma_wait3A_438 = arith.constant 0 : i32
    %dma_wait3A_439 = arith.constant 0 : i32
    %dma_wait3A_440 = tpu.memref_slice %arg9[%dma_wait3A_437, %dma_wait3A_438, %dma_wait3A_439] : memref<8x8x512xf32, #tpu.memory_space<vmem>> -> memref<8x8x512xf32, #tpu.memory_space<vmem>>
    tpu.wait_dma2 semaphore(%arg11 : memref<!tpu.dma_semaphore, #tpu.memory_space<semaphore_mem>>) src(%dma_wait3A_440 : memref<8x8x512xf32, #tpu.memory_space<vmem>>) dst(%dma_wait3A_436 : memref<8x8x512xf32, #tpu.memory_space<hbm>>)
    %add3A_441 = arith.constant 0 : i32
    %add3A_442 = arith.addi %multiple_of3A_24, %add3A_441 : i32
    %dma_start3A_443 = arith.constant 2 : i32
    %dma_start3A_444 = arith.constant 0 : i32
    %dma_start3A_445 = arith.constant 0 : i32
    %dma_start3A_446 = arith.constant 0 : i32
    %dma_start3A_447 = tpu.memref_slice %arg9[%dma_start3A_444, %dma_start3A_445, %dma_start3A_446] : memref<8x8x512xf32, #tpu.memory_space<vmem>> -> memref<8x8x512xf32, #tpu.memory_space<vmem>>
    %dma_start3A_448 = arith.constant 0 : i32
    %dma_start3A_449 = tpu.memref_slice %arg6[%dma_start3A_443, %dma_start3A_448] : memref<4x16xi32, #tpu.memory_space<vmem>> -> memref<1x8xi32, #tpu.memory_space<vmem>>
    %dma_start3A_450 = tpu.memref_squeeze %dma_start3A_449 : memref<1x8xi32, #tpu.memory_space<vmem>> -> memref<8xi32, #tpu.memory_space<vmem>>
    %dma_start3A_451 = arith.constant 0 : i32
    %dma_start3A_452 = tpu.memref_slice %arg2[%dma_start3A_451, %add3A_442, %multiple_of3A] : memref<200x64x4096xf32, #tpu.memory_space<hbm>> -> memref<200x8x512xf32, #tpu.memory_space<hbm>>
    tpu.enqueue_indirect_dma source(%dma_start3A_452 : memref<200x8x512xf32, #tpu.memory_space<hbm>>) target(%dma_start3A_447 : memref<8x8x512xf32, #tpu.memory_space<vmem>>) offsets(%dma_start3A_450 : memref<8xi32, #tpu.memory_space<vmem>>) semaphore(%arg10 : memref<!tpu.dma_semaphore, #tpu.memory_space<semaphore_mem>>)
    %dma_wait3A_453 = arith.constant 0 : i32
    %dma_wait3A_454 = arith.constant 0 : i32
    %dma_wait3A_455 = arith.constant 0 : i32
    %dma_wait3A_456 = tpu.memref_slice %arg7[%dma_wait3A_453, %dma_wait3A_454, %dma_wait3A_455] : memref<8x8x512xf32, #tpu.memory_space<vmem>> -> memref<8x8x512xf32, #tpu.memory_space<vmem>>
    %dma_wait3A_457 = arith.constant 0 : i32
    %dma_wait3A_458 = arith.constant 0 : i32
    %dma_wait3A_459 = tpu.memref_slice %arg2[%dma_wait3A_457, %dma_wait3A_458, %multiple_of3A] : memref<200x64x4096xf32, #tpu.memory_space<hbm>> -> memref<8x8x512xf32, #tpu.memory_space<hbm>>
    %dma_wait3A_460 = arith.constant 0 : i32
    %dma_wait3A_461 = arith.constant 0 : i32
    %dma_wait3A_462 = arith.constant 0 : i32
    %dma_wait3A_463 = tpu.memref_slice %arg7[%dma_wait3A_460, %dma_wait3A_461, %dma_wait3A_462] : memref<8x8x512xf32, #tpu.memory_space<vmem>> -> memref<8x8x512xf32, #tpu.memory_space<vmem>>
    %dma_wait3A_464 = arith.constant 0 : i32
    %dma_wait3A_465 = arith.constant 0 : i32
    %dma_wait3A_466 = tpu.memref_slice %arg2[%dma_wait3A_464, %dma_wait3A_465, %multiple_of3A] : memref<200x64x4096xf32, #tpu.memory_space<hbm>> -> memref<8x8x512xf32, #tpu.memory_space<hbm>>
    tpu.wait_dma2 semaphore(%arg10 : memref<!tpu.dma_semaphore, #tpu.memory_space<semaphore_mem>>) src(%dma_wait3A_466 : memref<8x8x512xf32, #tpu.memory_space<hbm>>) dst(%dma_wait3A_463 : memref<8x8x512xf32, #tpu.memory_space<vmem>>)
    %add3A_467 = arith.constant 0 : i32
    %add3A_468 = arith.addi %multiple_of3A_24, %add3A_467 : i32
    %dma_start3A_469 = arith.constant 0 : i32
    %dma_start3A_470 = arith.constant 0 : i32
    %dma_start3A_471 = arith.constant 0 : i32
    %dma_start3A_472 = tpu.memref_slice %arg7[%dma_start3A_469, %dma_start3A_470, %dma_start3A_471] : memref<8x8x512xf32, #tpu.memory_space<vmem>> -> memref<8x8x512xf32, #tpu.memory_space<vmem>>
    %dma_start3A_473 = arith.constant 24 : i32
    %dma_start3A_474 = tpu.memref_slice %arg4[%dma_start3A_473, %add3A_468, %multiple_of3A] : memref<50x64x4096xf32, #tpu.memory_space<hbm>> -> memref<8x8x512xf32, #tpu.memory_space<hbm>>
    %dma_start3A_475 = arith.constant 24 : i32
    %dma_start3A_476 = tpu.memref_slice %arg4[%dma_start3A_475, %add3A_468, %multiple_of3A] : memref<50x64x4096xf32, #tpu.memory_space<hbm>> -> memref<8x8x512xf32, #tpu.memory_space<hbm>>
    %dma_start3A_477 = arith.constant 0 : i32
    %dma_start3A_478 = arith.constant 0 : i32
    %dma_start3A_479 = arith.constant 0 : i32
    %dma_start3A_480 = tpu.memref_slice %arg7[%dma_start3A_477, %dma_start3A_478, %dma_start3A_479] : memref<8x8x512xf32, #tpu.memory_space<vmem>> -> memref<8x8x512xf32, #tpu.memory_space<vmem>>
    tpu.enqueue_dma source(%dma_start3A_480 : memref<8x8x512xf32, #tpu.memory_space<vmem>>) target(%dma_start3A_476 : memref<8x8x512xf32, #tpu.memory_space<hbm>>) target_semaphore(%arg11 : memref<!tpu.dma_semaphore, #tpu.memory_space<semaphore_mem>>)
    %dma_wait3A_481 = arith.constant 0 : i32
    %dma_wait3A_482 = arith.constant 0 : i32
    %dma_wait3A_483 = arith.constant 0 : i32
    %dma_wait3A_484 = tpu.memref_slice %arg7[%dma_wait3A_481, %dma_wait3A_482, %dma_wait3A_483] : memref<8x8x512xf32, #tpu.memory_space<vmem>> -> memref<8x8x512xf32, #tpu.memory_space<vmem>>
    %dma_wait3A_485 = arith.constant 0 : i32
    %dma_wait3A_486 = arith.constant 0 : i32
    %dma_wait3A_487 = tpu.memref_slice %arg4[%dma_wait3A_485, %dma_wait3A_486, %multiple_of3A] : memref<50x64x4096xf32, #tpu.memory_space<hbm>> -> memref<8x8x512xf32, #tpu.memory_space<hbm>>
    %dma_wait3A_488 = arith.constant 0 : i32
    %dma_wait3A_489 = arith.constant 0 : i32
    %dma_wait3A_490 = tpu.memref_slice %arg4[%dma_wait3A_488, %dma_wait3A_489, %multiple_of3A] : memref<50x64x4096xf32, #tpu.memory_space<hbm>> -> memref<8x8x512xf32, #tpu.memory_space<hbm>>
    %dma_wait3A_491 = arith.constant 0 : i32
    %dma_wait3A_492 = arith.constant 0 : i32
    %dma_wait3A_493 = arith.constant 0 : i32
    %dma_wait3A_494 = tpu.memref_slice %arg7[%dma_wait3A_491, %dma_wait3A_492, %dma_wait3A_493] : memref<8x8x512xf32, #tpu.memory_space<vmem>> -> memref<8x8x512xf32, #tpu.memory_space<vmem>>
    tpu.wait_dma2 semaphore(%arg11 : memref<!tpu.dma_semaphore, #tpu.memory_space<semaphore_mem>>) src(%dma_wait3A_494 : memref<8x8x512xf32, #tpu.memory_space<vmem>>) dst(%dma_wait3A_490 : memref<8x8x512xf32, #tpu.memory_space<hbm>>)
    %add3A_495 = arith.constant 8 : i32
    %add3A_496 = arith.addi %multiple_of3A_24, %add3A_495 : i32
    %dma_start3A_497 = arith.constant 2 : i32
    %dma_start3A_498 = arith.constant 0 : i32
    %dma_start3A_499 = arith.constant 0 : i32
    %dma_start3A_500 = arith.constant 0 : i32
    %dma_start3A_501 = tpu.memref_slice %arg7[%dma_start3A_498, %dma_start3A_499, %dma_start3A_500] : memref<8x8x512xf32, #tpu.memory_space<vmem>> -> memref<8x8x512xf32, #tpu.memory_space<vmem>>
    %dma_start3A_502 = arith.constant 0 : i32
    %dma_start3A_503 = tpu.memref_slice %arg6[%dma_start3A_497, %dma_start3A_502] : memref<4x16xi32, #tpu.memory_space<vmem>> -> memref<1x8xi32, #tpu.memory_space<vmem>>
    %dma_start3A_504 = tpu.memref_squeeze %dma_start3A_503 : memref<1x8xi32, #tpu.memory_space<vmem>> -> memref<8xi32, #tpu.memory_space<vmem>>
    %dma_start3A_505 = arith.constant 0 : i32
    %dma_start3A_506 = tpu.memref_slice %arg2[%dma_start3A_505, %add3A_496, %multiple_of3A] : memref<200x64x4096xf32, #tpu.memory_space<hbm>> -> memref<200x8x512xf32, #tpu.memory_space<hbm>>
    tpu.enqueue_indirect_dma source(%dma_start3A_506 : memref<200x8x512xf32, #tpu.memory_space<hbm>>) target(%dma_start3A_501 : memref<8x8x512xf32, #tpu.memory_space<vmem>>) offsets(%dma_start3A_504 : memref<8xi32, #tpu.memory_space<vmem>>) semaphore(%arg10 : memref<!tpu.dma_semaphore, #tpu.memory_space<semaphore_mem>>)
    %dma_wait3A_507 = arith.constant 0 : i32
    %dma_wait3A_508 = arith.constant 0 : i32
    %dma_wait3A_509 = arith.constant 0 : i32
    %dma_wait3A_510 = tpu.memref_slice %arg8[%dma_wait3A_507, %dma_wait3A_508, %dma_wait3A_509] : memref<8x8x512xf32, #tpu.memory_space<vmem>> -> memref<8x8x512xf32, #tpu.memory_space<vmem>>
    %dma_wait3A_511 = arith.constant 0 : i32
    %dma_wait3A_512 = arith.constant 0 : i32
    %dma_wait3A_513 = tpu.memref_slice %arg2[%dma_wait3A_511, %dma_wait3A_512, %multiple_of3A] : memref<200x64x4096xf32, #tpu.memory_space<hbm>> -> memref<8x8x512xf32, #tpu.memory_space<hbm>>
    %dma_wait3A_514 = arith.constant 0 : i32
    %dma_wait3A_515 = arith.constant 0 : i32
    %dma_wait3A_516 = arith.constant 0 : i32
    %dma_wait3A_517 = tpu.memref_slice %arg8[%dma_wait3A_514, %dma_wait3A_515, %dma_wait3A_516] : memref<8x8x512xf32, #tpu.memory_space<vmem>> -> memref<8x8x512xf32, #tpu.memory_space<vmem>>
    %dma_wait3A_518 = arith.constant 0 : i32
    %dma_wait3A_519 = arith.constant 0 : i32
    %dma_wait3A_520 = tpu.memref_slice %arg2[%dma_wait3A_518, %dma_wait3A_519, %multiple_of3A] : memref<200x64x4096xf32, #tpu.memory_space<hbm>> -> memref<8x8x512xf32, #tpu.memory_space<hbm>>
    tpu.wait_dma2 semaphore(%arg10 : memref<!tpu.dma_semaphore, #tpu.memory_space<semaphore_mem>>) src(%dma_wait3A_520 : memref<8x8x512xf32, #tpu.memory_space<hbm>>) dst(%dma_wait3A_517 : memref<8x8x512xf32, #tpu.memory_space<vmem>>)
    %add3A_521 = arith.constant 8 : i32
    %add3A_522 = arith.addi %multiple_of3A_24, %add3A_521 : i32
    %dma_start3A_523 = arith.constant 0 : i32
    %dma_start3A_524 = arith.constant 0 : i32
    %dma_start3A_525 = arith.constant 0 : i32
    %dma_start3A_526 = tpu.memref_slice %arg8[%dma_start3A_523, %dma_start3A_524, %dma_start3A_525] : memref<8x8x512xf32, #tpu.memory_space<vmem>> -> memref<8x8x512xf32, #tpu.memory_space<vmem>>
    %dma_start3A_527 = arith.constant 24 : i32
    %dma_start3A_528 = tpu.memref_slice %arg4[%dma_start3A_527, %add3A_522, %multiple_of3A] : memref<50x64x4096xf32, #tpu.memory_space<hbm>> -> memref<8x8x512xf32, #tpu.memory_space<hbm>>
    %dma_start3A_529 = arith.constant 24 : i32
    %dma_start3A_530 = tpu.memref_slice %arg4[%dma_start3A_529, %add3A_522, %multiple_of3A] : memref<50x64x4096xf32, #tpu.memory_space<hbm>> -> memref<8x8x512xf32, #tpu.memory_space<hbm>>
    %dma_start3A_531 = arith.constant 0 : i32
    %dma_start3A_532 = arith.constant 0 : i32
    %dma_start3A_533 = arith.constant 0 : i32
    %dma_start3A_534 = tpu.memref_slice %arg8[%dma_start3A_531, %dma_start3A_532, %dma_start3A_533] : memref<8x8x512xf32, #tpu.memory_space<vmem>> -> memref<8x8x512xf32, #tpu.memory_space<vmem>>
    tpu.enqueue_dma source(%dma_start3A_534 : memref<8x8x512xf32, #tpu.memory_space<vmem>>) target(%dma_start3A_530 : memref<8x8x512xf32, #tpu.memory_space<hbm>>) target_semaphore(%arg11 : memref<!tpu.dma_semaphore, #tpu.memory_space<semaphore_mem>>)
    %dma_wait3A_535 = arith.constant 0 : i32
    %dma_wait3A_536 = arith.constant 0 : i32
    %dma_wait3A_537 = arith.constant 0 : i32
    %dma_wait3A_538 = tpu.memref_slice %arg8[%dma_wait3A_535, %dma_wait3A_536, %dma_wait3A_537] : memref<8x8x512xf32, #tpu.memory_space<vmem>> -> memref<8x8x512xf32, #tpu.memory_space<vmem>>
    %dma_wait3A_539 = arith.constant 0 : i32
    %dma_wait3A_540 = arith.constant 0 : i32
    %dma_wait3A_541 = tpu.memref_slice %arg4[%dma_wait3A_539, %dma_wait3A_540, %multiple_of3A] : memref<50x64x4096xf32, #tpu.memory_space<hbm>> -> memref<8x8x512xf32, #tpu.memory_space<hbm>>
    %dma_wait3A_542 = arith.constant 0 : i32
    %dma_wait3A_543 = arith.constant 0 : i32
    %dma_wait3A_544 = tpu.memref_slice %arg4[%dma_wait3A_542, %dma_wait3A_543, %multiple_of3A] : memref<50x64x4096xf32, #tpu.memory_space<hbm>> -> memref<8x8x512xf32, #tpu.memory_space<hbm>>
    %dma_wait3A_545 = arith.constant 0 : i32
    %dma_wait3A_546 = arith.constant 0 : i32
    %dma_wait3A_547 = arith.constant 0 : i32
    %dma_wait3A_548 = tpu.memref_slice %arg8[%dma_wait3A_545, %dma_wait3A_546, %dma_wait3A_547] : memref<8x8x512xf32, #tpu.memory_space<vmem>> -> memref<8x8x512xf32, #tpu.memory_space<vmem>>
    tpu.wait_dma2 semaphore(%arg11 : memref<!tpu.dma_semaphore, #tpu.memory_space<semaphore_mem>>) src(%dma_wait3A_548 : memref<8x8x512xf32, #tpu.memory_space<vmem>>) dst(%dma_wait3A_544 : memref<8x8x512xf32, #tpu.memory_space<hbm>>)
    %add3A_549 = arith.constant 0 : i32
    %add3A_550 = arith.addi %multiple_of3A_24, %add3A_549 : i32
    %dma_start3A_551 = arith.constant 2 : i32
    %dma_start3A_552 = arith.constant 0 : i32
    %dma_start3A_553 = arith.constant 0 : i32
    %dma_start3A_554 = arith.constant 0 : i32
    %dma_start3A_555 = tpu.memref_slice %arg8[%dma_start3A_552, %dma_start3A_553, %dma_start3A_554] : memref<8x8x512xf32, #tpu.memory_space<vmem>> -> memref<8x8x512xf32, #tpu.memory_space<vmem>>
    %dma_start3A_556 = arith.constant 8 : i32
    %dma_start3A_557 = tpu.memref_slice %arg6[%dma_start3A_551, %dma_start3A_556] : memref<4x16xi32, #tpu.memory_space<vmem>> -> memref<1x8xi32, #tpu.memory_space<vmem>>
    %dma_start3A_558 = tpu.memref_squeeze %dma_start3A_557 : memref<1x8xi32, #tpu.memory_space<vmem>> -> memref<8xi32, #tpu.memory_space<vmem>>
    %dma_start3A_559 = arith.constant 0 : i32
    %dma_start3A_560 = tpu.memref_slice %arg2[%dma_start3A_559, %add3A_550, %multiple_of3A] : memref<200x64x4096xf32, #tpu.memory_space<hbm>> -> memref<200x8x512xf32, #tpu.memory_space<hbm>>
    tpu.enqueue_indirect_dma source(%dma_start3A_560 : memref<200x8x512xf32, #tpu.memory_space<hbm>>) target(%dma_start3A_555 : memref<8x8x512xf32, #tpu.memory_space<vmem>>) offsets(%dma_start3A_558 : memref<8xi32, #tpu.memory_space<vmem>>) semaphore(%arg10 : memref<!tpu.dma_semaphore, #tpu.memory_space<semaphore_mem>>)
    %dma_wait3A_561 = arith.constant 0 : i32
    %dma_wait3A_562 = arith.constant 0 : i32
    %dma_wait3A_563 = arith.constant 0 : i32
    %dma_wait3A_564 = tpu.memref_slice %arg9[%dma_wait3A_561, %dma_wait3A_562, %dma_wait3A_563] : memref<8x8x512xf32, #tpu.memory_space<vmem>> -> memref<8x8x512xf32, #tpu.memory_space<vmem>>
    %dma_wait3A_565 = arith.constant 0 : i32
    %dma_wait3A_566 = arith.constant 0 : i32
    %dma_wait3A_567 = tpu.memref_slice %arg2[%dma_wait3A_565, %dma_wait3A_566, %multiple_of3A] : memref<200x64x4096xf32, #tpu.memory_space<hbm>> -> memref<8x8x512xf32, #tpu.memory_space<hbm>>
    %dma_wait3A_568 = arith.constant 0 : i32
    %dma_wait3A_569 = arith.constant 0 : i32
    %dma_wait3A_570 = arith.constant 0 : i32
    %dma_wait3A_571 = tpu.memref_slice %arg9[%dma_wait3A_568, %dma_wait3A_569, %dma_wait3A_570] : memref<8x8x512xf32, #tpu.memory_space<vmem>> -> memref<8x8x512xf32, #tpu.memory_space<vmem>>
    %dma_wait3A_572 = arith.constant 0 : i32
    %dma_wait3A_573 = arith.constant 0 : i32
    %dma_wait3A_574 = tpu.memref_slice %arg2[%dma_wait3A_572, %dma_wait3A_573, %multiple_of3A] : memref<200x64x4096xf32, #tpu.memory_space<hbm>> -> memref<8x8x512xf32, #tpu.memory_space<hbm>>
    tpu.wait_dma2 semaphore(%arg10 : memref<!tpu.dma_semaphore, #tpu.memory_space<semaphore_mem>>) src(%dma_wait3A_574 : memref<8x8x512xf32, #tpu.memory_space<hbm>>) dst(%dma_wait3A_571 : memref<8x8x512xf32, #tpu.memory_space<vmem>>)
    %add3A_575 = arith.constant 0 : i32
    %add3A_576 = arith.addi %multiple_of3A_24, %add3A_575 : i32
    %dma_start3A_577 = arith.constant 0 : i32
    %dma_start3A_578 = arith.constant 0 : i32
    %dma_start3A_579 = arith.constant 0 : i32
    %dma_start3A_580 = tpu.memref_slice %arg9[%dma_start3A_577, %dma_start3A_578, %dma_start3A_579] : memref<8x8x512xf32, #tpu.memory_space<vmem>> -> memref<8x8x512xf32, #tpu.memory_space<vmem>>
    %dma_start3A_581 = arith.constant 32 : i32
    %dma_start3A_582 = tpu.memref_slice %arg4[%dma_start3A_581, %add3A_576, %multiple_of3A] : memref<50x64x4096xf32, #tpu.memory_space<hbm>> -> memref<8x8x512xf32, #tpu.memory_space<hbm>>
    %dma_start3A_583 = arith.constant 32 : i32
    %dma_start3A_584 = tpu.memref_slice %arg4[%dma_start3A_583, %add3A_576, %multiple_of3A] : memref<50x64x4096xf32, #tpu.memory_space<hbm>> -> memref<8x8x512xf32, #tpu.memory_space<hbm>>
    %dma_start3A_585 = arith.constant 0 : i32
    %dma_start3A_586 = arith.constant 0 : i32
    %dma_start3A_587 = arith.constant 0 : i32
    %dma_start3A_588 = tpu.memref_slice %arg9[%dma_start3A_585, %dma_start3A_586, %dma_start3A_587] : memref<8x8x512xf32, #tpu.memory_space<vmem>> -> memref<8x8x512xf32, #tpu.memory_space<vmem>>
    tpu.enqueue_dma source(%dma_start3A_588 : memref<8x8x512xf32, #tpu.memory_space<vmem>>) target(%dma_start3A_584 : memref<8x8x512xf32, #tpu.memory_space<hbm>>) target_semaphore(%arg11 : memref<!tpu.dma_semaphore, #tpu.memory_space<semaphore_mem>>)
    %dma_wait3A_589 = arith.constant 0 : i32
    %dma_wait3A_590 = arith.constant 0 : i32
    %dma_wait3A_591 = arith.constant 0 : i32
    %dma_wait3A_592 = tpu.memref_slice %arg9[%dma_wait3A_589, %dma_wait3A_590, %dma_wait3A_591] : memref<8x8x512xf32, #tpu.memory_space<vmem>> -> memref<8x8x512xf32, #tpu.memory_space<vmem>>
    %dma_wait3A_593 = arith.constant 0 : i32
    %dma_wait3A_594 = arith.constant 0 : i32
    %dma_wait3A_595 = tpu.memref_slice %arg4[%dma_wait3A_593, %dma_wait3A_594, %multiple_of3A] : memref<50x64x4096xf32, #tpu.memory_space<hbm>> -> memref<8x8x512xf32, #tpu.memory_space<hbm>>
    %dma_wait3A_596 = arith.constant 0 : i32
    %dma_wait3A_597 = arith.constant 0 : i32
    %dma_wait3A_598 = tpu.memref_slice %arg4[%dma_wait3A_596, %dma_wait3A_597, %multiple_of3A] : memref<50x64x4096xf32, #tpu.memory_space<hbm>> -> memref<8x8x512xf32, #tpu.memory_space<hbm>>
    %dma_wait3A_599 = arith.constant 0 : i32
    %dma_wait3A_600 = arith.constant 0 : i32
    %dma_wait3A_601 = arith.constant 0 : i32
    %dma_wait3A_602 = tpu.memref_slice %arg9[%dma_wait3A_599, %dma_wait3A_600, %dma_wait3A_601] : memref<8x8x512xf32, #tpu.memory_space<vmem>> -> memref<8x8x512xf32, #tpu.memory_space<vmem>>
    tpu.wait_dma2 semaphore(%arg11 : memref<!tpu.dma_semaphore, #tpu.memory_space<semaphore_mem>>) src(%dma_wait3A_602 : memref<8x8x512xf32, #tpu.memory_space<vmem>>) dst(%dma_wait3A_598 : memref<8x8x512xf32, #tpu.memory_space<hbm>>)
    %add3A_603 = arith.constant 8 : i32
    %add3A_604 = arith.addi %multiple_of3A_24, %add3A_603 : i32
    %dma_start3A_605 = arith.constant 2 : i32
    %dma_start3A_606 = arith.constant 0 : i32
    %dma_start3A_607 = arith.constant 0 : i32
    %dma_start3A_608 = arith.constant 0 : i32
    %dma_start3A_609 = tpu.memref_slice %arg9[%dma_start3A_606, %dma_start3A_607, %dma_start3A_608] : memref<8x8x512xf32, #tpu.memory_space<vmem>> -> memref<8x8x512xf32, #tpu.memory_space<vmem>>
    %dma_start3A_610 = arith.constant 8 : i32
    %dma_start3A_611 = tpu.memref_slice %arg6[%dma_start3A_605, %dma_start3A_610] : memref<4x16xi32, #tpu.memory_space<vmem>> -> memref<1x8xi32, #tpu.memory_space<vmem>>
    %dma_start3A_612 = tpu.memref_squeeze %dma_start3A_611 : memref<1x8xi32, #tpu.memory_space<vmem>> -> memref<8xi32, #tpu.memory_space<vmem>>
    %dma_start3A_613 = arith.constant 0 : i32
    %dma_start3A_614 = tpu.memref_slice %arg2[%dma_start3A_613, %add3A_604, %multiple_of3A] : memref<200x64x4096xf32, #tpu.memory_space<hbm>> -> memref<200x8x512xf32, #tpu.memory_space<hbm>>
    tpu.enqueue_indirect_dma source(%dma_start3A_614 : memref<200x8x512xf32, #tpu.memory_space<hbm>>) target(%dma_start3A_609 : memref<8x8x512xf32, #tpu.memory_space<vmem>>) offsets(%dma_start3A_612 : memref<8xi32, #tpu.memory_space<vmem>>) semaphore(%arg10 : memref<!tpu.dma_semaphore, #tpu.memory_space<semaphore_mem>>)
    %dma_wait3A_615 = arith.constant 0 : i32
    %dma_wait3A_616 = arith.constant 0 : i32
    %dma_wait3A_617 = arith.constant 0 : i32
    %dma_wait3A_618 = tpu.memref_slice %arg7[%dma_wait3A_615, %dma_wait3A_616, %dma_wait3A_617] : memref<8x8x512xf32, #tpu.memory_space<vmem>> -> memref<8x8x512xf32, #tpu.memory_space<vmem>>
    %dma_wait3A_619 = arith.constant 0 : i32
    %dma_wait3A_620 = arith.constant 0 : i32
    %dma_wait3A_621 = tpu.memref_slice %arg2[%dma_wait3A_619, %dma_wait3A_620, %multiple_of3A] : memref<200x64x4096xf32, #tpu.memory_space<hbm>> -> memref<8x8x512xf32, #tpu.memory_space<hbm>>
    %dma_wait3A_622 = arith.constant 0 : i32
    %dma_wait3A_623 = arith.constant 0 : i32
    %dma_wait3A_624 = arith.constant 0 : i32
    %dma_wait3A_625 = tpu.memref_slice %arg7[%dma_wait3A_622, %dma_wait3A_623, %dma_wait3A_624] : memref<8x8x512xf32, #tpu.memory_space<vmem>> -> memref<8x8x512xf32, #tpu.memory_space<vmem>>
    %dma_wait3A_626 = arith.constant 0 : i32
    %dma_wait3A_627 = arith.constant 0 : i32
    %dma_wait3A_628 = tpu.memref_slice %arg2[%dma_wait3A_626, %dma_wait3A_627, %multiple_of3A] : memref<200x64x4096xf32, #tpu.memory_space<hbm>> -> memref<8x8x512xf32, #tpu.memory_space<hbm>>
    tpu.wait_dma2 semaphore(%arg10 : memref<!tpu.dma_semaphore, #tpu.memory_space<semaphore_mem>>) src(%dma_wait3A_628 : memref<8x8x512xf32, #tpu.memory_space<hbm>>) dst(%dma_wait3A_625 : memref<8x8x512xf32, #tpu.memory_space<vmem>>)
    %add3A_629 = arith.constant 8 : i32
    %add3A_630 = arith.addi %multiple_of3A_24, %add3A_629 : i32
    %dma_start3A_631 = arith.constant 0 : i32
    %dma_start3A_632 = arith.constant 0 : i32
    %dma_start3A_633 = arith.constant 0 : i32
    %dma_start3A_634 = tpu.memref_slice %arg7[%dma_start3A_631, %dma_start3A_632, %dma_start3A_633] : memref<8x8x512xf32, #tpu.memory_space<vmem>> -> memref<8x8x512xf32, #tpu.memory_space<vmem>>
    %dma_start3A_635 = arith.constant 32 : i32
    %dma_start3A_636 = tpu.memref_slice %arg4[%dma_start3A_635, %add3A_630, %multiple_of3A] : memref<50x64x4096xf32, #tpu.memory_space<hbm>> -> memref<8x8x512xf32, #tpu.memory_space<hbm>>
    %dma_start3A_637 = arith.constant 32 : i32
    %dma_start3A_638 = tpu.memref_slice %arg4[%dma_start3A_637, %add3A_630, %multiple_of3A] : memref<50x64x4096xf32, #tpu.memory_space<hbm>> -> memref<8x8x512xf32, #tpu.memory_space<hbm>>
    %dma_start3A_639 = arith.constant 0 : i32
    %dma_start3A_640 = arith.constant 0 : i32
    %dma_start3A_641 = arith.constant 0 : i32
    %dma_start3A_642 = tpu.memref_slice %arg7[%dma_start3A_639, %dma_start3A_640, %dma_start3A_641] : memref<8x8x512xf32, #tpu.memory_space<vmem>> -> memref<8x8x512xf32, #tpu.memory_space<vmem>>
    tpu.enqueue_dma source(%dma_start3A_642 : memref<8x8x512xf32, #tpu.memory_space<vmem>>) target(%dma_start3A_638 : memref<8x8x512xf32, #tpu.memory_space<hbm>>) target_semaphore(%arg11 : memref<!tpu.dma_semaphore, #tpu.memory_space<semaphore_mem>>)
    %dma_wait3A_643 = arith.constant 0 : i32
    %dma_wait3A_644 = arith.constant 0 : i32
    %dma_wait3A_645 = arith.constant 0 : i32
    %dma_wait3A_646 = tpu.memref_slice %arg7[%dma_wait3A_643, %dma_wait3A_644, %dma_wait3A_645] : memref<8x8x512xf32, #tpu.memory_space<vmem>> -> memref<8x8x512xf32, #tpu.memory_space<vmem>>
    %dma_wait3A_647 = arith.constant 0 : i32
    %dma_wait3A_648 = arith.constant 0 : i32
    %dma_wait3A_649 = tpu.memref_slice %arg4[%dma_wait3A_647, %dma_wait3A_648, %multiple_of3A] : memref<50x64x4096xf32, #tpu.memory_space<hbm>> -> memref<8x8x512xf32, #tpu.memory_space<hbm>>
    %dma_wait3A_650 = arith.constant 0 : i32
    %dma_wait3A_651 = arith.constant 0 : i32
    %dma_wait3A_652 = tpu.memref_slice %arg4[%dma_wait3A_650, %dma_wait3A_651, %multiple_of3A] : memref<50x64x4096xf32, #tpu.memory_space<hbm>> -> memref<8x8x512xf32, #tpu.memory_space<hbm>>
    %dma_wait3A_653 = arith.constant 0 : i32
    %dma_wait3A_654 = arith.constant 0 : i32
    %dma_wait3A_655 = arith.constant 0 : i32
    %dma_wait3A_656 = tpu.memref_slice %arg7[%dma_wait3A_653, %dma_wait3A_654, %dma_wait3A_655] : memref<8x8x512xf32, #tpu.memory_space<vmem>> -> memref<8x8x512xf32, #tpu.memory_space<vmem>>
    tpu.wait_dma2 semaphore(%arg11 : memref<!tpu.dma_semaphore, #tpu.memory_space<semaphore_mem>>) src(%dma_wait3A_656 : memref<8x8x512xf32, #tpu.memory_space<vmem>>) dst(%dma_wait3A_652 : memref<8x8x512xf32, #tpu.memory_space<hbm>>)
    %add3A_657 = arith.constant 0 : i32
    %add3A_658 = arith.addi %multiple_of3A_24, %add3A_657 : i32
    %dma_start3A_659 = arith.constant 3 : i32
    %dma_start3A_660 = arith.constant 0 : i32
    %dma_start3A_661 = arith.constant 0 : i32
    %dma_start3A_662 = arith.constant 0 : i32
    %dma_start3A_663 = tpu.memref_slice %arg7[%dma_start3A_660, %dma_start3A_661, %dma_start3A_662] : memref<8x8x512xf32, #tpu.memory_space<vmem>> -> memref<2x8x512xf32, #tpu.memory_space<vmem>>
    %dma_start3A_664 = arith.constant 0 : i32
    %dma_start3A_665 = tpu.memref_slice %arg6[%dma_start3A_659, %dma_start3A_664] : memref<4x16xi32, #tpu.memory_space<vmem>> -> memref<1x2xi32, #tpu.memory_space<vmem>>
    %dma_start3A_666 = tpu.memref_squeeze %dma_start3A_665 : memref<1x2xi32, #tpu.memory_space<vmem>> -> memref<2xi32, #tpu.memory_space<vmem>>
    %dma_start3A_667 = arith.constant 0 : i32
    %dma_start3A_668 = tpu.memref_slice %arg2[%dma_start3A_667, %add3A_658, %multiple_of3A] : memref<200x64x4096xf32, #tpu.memory_space<hbm>> -> memref<200x8x512xf32, #tpu.memory_space<hbm>>
    tpu.enqueue_indirect_dma source(%dma_start3A_668 : memref<200x8x512xf32, #tpu.memory_space<hbm>>) target(%dma_start3A_663 : memref<2x8x512xf32, #tpu.memory_space<vmem>>) offsets(%dma_start3A_666 : memref<2xi32, #tpu.memory_space<vmem>>) semaphore(%arg10 : memref<!tpu.dma_semaphore, #tpu.memory_space<semaphore_mem>>)
    %dma_wait3A_669 = arith.constant 0 : i32
    %dma_wait3A_670 = arith.constant 0 : i32
    %dma_wait3A_671 = arith.constant 0 : i32
    %dma_wait3A_672 = tpu.memref_slice %arg8[%dma_wait3A_669, %dma_wait3A_670, %dma_wait3A_671] : memref<8x8x512xf32, #tpu.memory_space<vmem>> -> memref<8x8x512xf32, #tpu.memory_space<vmem>>
    %dma_wait3A_673 = arith.constant 0 : i32
    %dma_wait3A_674 = arith.constant 0 : i32
    %dma_wait3A_675 = tpu.memref_slice %arg2[%dma_wait3A_673, %dma_wait3A_674, %multiple_of3A] : memref<200x64x4096xf32, #tpu.memory_space<hbm>> -> memref<8x8x512xf32, #tpu.memory_space<hbm>>
    %dma_wait3A_676 = arith.constant 0 : i32
    %dma_wait3A_677 = arith.constant 0 : i32
    %dma_wait3A_678 = arith.constant 0 : i32
    %dma_wait3A_679 = tpu.memref_slice %arg8[%dma_wait3A_676, %dma_wait3A_677, %dma_wait3A_678] : memref<8x8x512xf32, #tpu.memory_space<vmem>> -> memref<8x8x512xf32, #tpu.memory_space<vmem>>
    %dma_wait3A_680 = arith.constant 0 : i32
    %dma_wait3A_681 = arith.constant 0 : i32
    %dma_wait3A_682 = tpu.memref_slice %arg2[%dma_wait3A_680, %dma_wait3A_681, %multiple_of3A] : memref<200x64x4096xf32, #tpu.memory_space<hbm>> -> memref<8x8x512xf32, #tpu.memory_space<hbm>>
    tpu.wait_dma2 semaphore(%arg10 : memref<!tpu.dma_semaphore, #tpu.memory_space<semaphore_mem>>) src(%dma_wait3A_682 : memref<8x8x512xf32, #tpu.memory_space<hbm>>) dst(%dma_wait3A_679 : memref<8x8x512xf32, #tpu.memory_space<vmem>>)
    %add3A_683 = arith.constant 0 : i32
    %add3A_684 = arith.addi %multiple_of3A_24, %add3A_683 : i32
    %dma_start3A_685 = arith.constant 0 : i32
    %dma_start3A_686 = arith.constant 0 : i32
    %dma_start3A_687 = arith.constant 0 : i32
    %dma_start3A_688 = tpu.memref_slice %arg8[%dma_start3A_685, %dma_start3A_686, %dma_start3A_687] : memref<8x8x512xf32, #tpu.memory_space<vmem>> -> memref<8x8x512xf32, #tpu.memory_space<vmem>>
    %dma_start3A_689 = arith.constant 40 : i32
    %dma_start3A_690 = tpu.memref_slice %arg4[%dma_start3A_689, %add3A_684, %multiple_of3A] : memref<50x64x4096xf32, #tpu.memory_space<hbm>> -> memref<8x8x512xf32, #tpu.memory_space<hbm>>
    %dma_start3A_691 = arith.constant 40 : i32
    %dma_start3A_692 = tpu.memref_slice %arg4[%dma_start3A_691, %add3A_684, %multiple_of3A] : memref<50x64x4096xf32, #tpu.memory_space<hbm>> -> memref<8x8x512xf32, #tpu.memory_space<hbm>>
    %dma_start3A_693 = arith.constant 0 : i32
    %dma_start3A_694 = arith.constant 0 : i32
    %dma_start3A_695 = arith.constant 0 : i32
    %dma_start3A_696 = tpu.memref_slice %arg8[%dma_start3A_693, %dma_start3A_694, %dma_start3A_695] : memref<8x8x512xf32, #tpu.memory_space<vmem>> -> memref<8x8x512xf32, #tpu.memory_space<vmem>>
    tpu.enqueue_dma source(%dma_start3A_696 : memref<8x8x512xf32, #tpu.memory_space<vmem>>) target(%dma_start3A_692 : memref<8x8x512xf32, #tpu.memory_space<hbm>>) target_semaphore(%arg11 : memref<!tpu.dma_semaphore, #tpu.memory_space<semaphore_mem>>)
    %dma_wait3A_697 = arith.constant 0 : i32
    %dma_wait3A_698 = arith.constant 0 : i32
    %dma_wait3A_699 = arith.constant 0 : i32
    %dma_wait3A_700 = tpu.memref_slice %arg8[%dma_wait3A_697, %dma_wait3A_698, %dma_wait3A_699] : memref<8x8x512xf32, #tpu.memory_space<vmem>> -> memref<8x8x512xf32, #tpu.memory_space<vmem>>
    %dma_wait3A_701 = arith.constant 0 : i32
    %dma_wait3A_702 = arith.constant 0 : i32
    %dma_wait3A_703 = tpu.memref_slice %arg4[%dma_wait3A_701, %dma_wait3A_702, %multiple_of3A] : memref<50x64x4096xf32, #tpu.memory_space<hbm>> -> memref<8x8x512xf32, #tpu.memory_space<hbm>>
    %dma_wait3A_704 = arith.constant 0 : i32
    %dma_wait3A_705 = arith.constant 0 : i32
    %dma_wait3A_706 = tpu.memref_slice %arg4[%dma_wait3A_704, %dma_wait3A_705, %multiple_of3A] : memref<50x64x4096xf32, #tpu.memory_space<hbm>> -> memref<8x8x512xf32, #tpu.memory_space<hbm>>
    %dma_wait3A_707 = arith.constant 0 : i32
    %dma_wait3A_708 = arith.constant 0 : i32
    %dma_wait3A_709 = arith.constant 0 : i32
    %dma_wait3A_710 = tpu.memref_slice %arg8[%dma_wait3A_707, %dma_wait3A_708, %dma_wait3A_709] : memref<8x8x512xf32, #tpu.memory_space<vmem>> -> memref<8x8x512xf32, #tpu.memory_space<vmem>>
    tpu.wait_dma2 semaphore(%arg11 : memref<!tpu.dma_semaphore, #tpu.memory_space<semaphore_mem>>) src(%dma_wait3A_710 : memref<8x8x512xf32, #tpu.memory_space<vmem>>) dst(%dma_wait3A_706 : memref<8x8x512xf32, #tpu.memory_space<hbm>>)
    %add3A_711 = arith.constant 8 : i32
    %add3A_712 = arith.addi %multiple_of3A_24, %add3A_711 : i32
    %dma_start3A_713 = arith.constant 3 : i32
    %dma_start3A_714 = arith.constant 0 : i32
    %dma_start3A_715 = arith.constant 0 : i32
    %dma_start3A_716 = arith.constant 0 : i32
    %dma_start3A_717 = tpu.memref_slice %arg8[%dma_start3A_714, %dma_start3A_715, %dma_start3A_716] : memref<8x8x512xf32, #tpu.memory_space<vmem>> -> memref<2x8x512xf32, #tpu.memory_space<vmem>>
    %dma_start3A_718 = arith.constant 0 : i32
    %dma_start3A_719 = tpu.memref_slice %arg6[%dma_start3A_713, %dma_start3A_718] : memref<4x16xi32, #tpu.memory_space<vmem>> -> memref<1x2xi32, #tpu.memory_space<vmem>>
    %dma_start3A_720 = tpu.memref_squeeze %dma_start3A_719 : memref<1x2xi32, #tpu.memory_space<vmem>> -> memref<2xi32, #tpu.memory_space<vmem>>
    %dma_start3A_721 = arith.constant 0 : i32
    %dma_start3A_722 = tpu.memref_slice %arg2[%dma_start3A_721, %add3A_712, %multiple_of3A] : memref<200x64x4096xf32, #tpu.memory_space<hbm>> -> memref<200x8x512xf32, #tpu.memory_space<hbm>>
    tpu.enqueue_indirect_dma source(%dma_start3A_722 : memref<200x8x512xf32, #tpu.memory_space<hbm>>) target(%dma_start3A_717 : memref<2x8x512xf32, #tpu.memory_space<vmem>>) offsets(%dma_start3A_720 : memref<2xi32, #tpu.memory_space<vmem>>) semaphore(%arg10 : memref<!tpu.dma_semaphore, #tpu.memory_space<semaphore_mem>>)
    %dma_wait3A_723 = arith.constant 0 : i32
    %dma_wait3A_724 = arith.constant 0 : i32
    %dma_wait3A_725 = arith.constant 0 : i32
    %dma_wait3A_726 = tpu.memref_slice %arg9[%dma_wait3A_723, %dma_wait3A_724, %dma_wait3A_725] : memref<8x8x512xf32, #tpu.memory_space<vmem>> -> memref<8x8x512xf32, #tpu.memory_space<vmem>>
    %dma_wait3A_727 = arith.constant 0 : i32
    %dma_wait3A_728 = arith.constant 0 : i32
    %dma_wait3A_729 = tpu.memref_slice %arg2[%dma_wait3A_727, %dma_wait3A_728, %multiple_of3A] : memref<200x64x4096xf32, #tpu.memory_space<hbm>> -> memref<8x8x512xf32, #tpu.memory_space<hbm>>
    %dma_wait3A_730 = arith.constant 0 : i32
    %dma_wait3A_731 = arith.constant 0 : i32
    %dma_wait3A_732 = arith.constant 0 : i32
    %dma_wait3A_733 = tpu.memref_slice %arg9[%dma_wait3A_730, %dma_wait3A_731, %dma_wait3A_732] : memref<8x8x512xf32, #tpu.memory_space<vmem>> -> memref<8x8x512xf32, #tpu.memory_space<vmem>>
    %dma_wait3A_734 = arith.constant 0 : i32
    %dma_wait3A_735 = arith.constant 0 : i32
    %dma_wait3A_736 = tpu.memref_slice %arg2[%dma_wait3A_734, %dma_wait3A_735, %multiple_of3A] : memref<200x64x4096xf32, #tpu.memory_space<hbm>> -> memref<8x8x512xf32, #tpu.memory_space<hbm>>
    tpu.wait_dma2 semaphore(%arg10 : memref<!tpu.dma_semaphore, #tpu.memory_space<semaphore_mem>>) src(%dma_wait3A_736 : memref<8x8x512xf32, #tpu.memory_space<hbm>>) dst(%dma_wait3A_733 : memref<8x8x512xf32, #tpu.memory_space<vmem>>)
    %add3A_737 = arith.constant 8 : i32
    %add3A_738 = arith.addi %multiple_of3A_24, %add3A_737 : i32
    %dma_start3A_739 = arith.constant 0 : i32
    %dma_start3A_740 = arith.constant 0 : i32
    %dma_start3A_741 = arith.constant 0 : i32
    %dma_start3A_742 = tpu.memref_slice %arg9[%dma_start3A_739, %dma_start3A_740, %dma_start3A_741] : memref<8x8x512xf32, #tpu.memory_space<vmem>> -> memref<8x8x512xf32, #tpu.memory_space<vmem>>
    %dma_start3A_743 = arith.constant 40 : i32
    %dma_start3A_744 = tpu.memref_slice %arg4[%dma_start3A_743, %add3A_738, %multiple_of3A] : memref<50x64x4096xf32, #tpu.memory_space<hbm>> -> memref<8x8x512xf32, #tpu.memory_space<hbm>>
    %dma_start3A_745 = arith.constant 40 : i32
    %dma_start3A_746 = tpu.memref_slice %arg4[%dma_start3A_745, %add3A_738, %multiple_of3A] : memref<50x64x4096xf32, #tpu.memory_space<hbm>> -> memref<8x8x512xf32, #tpu.memory_space<hbm>>
    %dma_start3A_747 = arith.constant 0 : i32
    %dma_start3A_748 = arith.constant 0 : i32
    %dma_start3A_749 = arith.constant 0 : i32
    %dma_start3A_750 = tpu.memref_slice %arg9[%dma_start3A_747, %dma_start3A_748, %dma_start3A_749] : memref<8x8x512xf32, #tpu.memory_space<vmem>> -> memref<8x8x512xf32, #tpu.memory_space<vmem>>
    tpu.enqueue_dma source(%dma_start3A_750 : memref<8x8x512xf32, #tpu.memory_space<vmem>>) target(%dma_start3A_746 : memref<8x8x512xf32, #tpu.memory_space<hbm>>) target_semaphore(%arg11 : memref<!tpu.dma_semaphore, #tpu.memory_space<semaphore_mem>>)
    %dma_wait3A_751 = arith.constant 0 : i32
    %dma_wait3A_752 = arith.constant 0 : i32
    %dma_wait3A_753 = arith.constant 0 : i32
    %dma_wait3A_754 = tpu.memref_slice %arg7[%dma_wait3A_751, %dma_wait3A_752, %dma_wait3A_753] : memref<8x8x512xf32, #tpu.memory_space<vmem>> -> memref<2x8x512xf32, #tpu.memory_space<vmem>>
    %dma_wait3A_755 = arith.constant 0 : i32
    %dma_wait3A_756 = arith.constant 0 : i32
    %dma_wait3A_757 = tpu.memref_slice %arg2[%dma_wait3A_755, %dma_wait3A_756, %multiple_of3A] : memref<200x64x4096xf32, #tpu.memory_space<hbm>> -> memref<2x8x512xf32, #tpu.memory_space<hbm>>
    %dma_wait3A_758 = arith.constant 0 : i32
    %dma_wait3A_759 = arith.constant 0 : i32
    %dma_wait3A_760 = arith.constant 0 : i32
    %dma_wait3A_761 = tpu.memref_slice %arg7[%dma_wait3A_758, %dma_wait3A_759, %dma_wait3A_760] : memref<8x8x512xf32, #tpu.memory_space<vmem>> -> memref<2x8x512xf32, #tpu.memory_space<vmem>>
    %dma_wait3A_762 = arith.constant 0 : i32
    %dma_wait3A_763 = arith.constant 0 : i32
    %dma_wait3A_764 = tpu.memref_slice %arg2[%dma_wait3A_762, %dma_wait3A_763, %multiple_of3A] : memref<200x64x4096xf32, #tpu.memory_space<hbm>> -> memref<2x8x512xf32, #tpu.memory_space<hbm>>
    tpu.wait_dma2 semaphore(%arg10 : memref<!tpu.dma_semaphore, #tpu.memory_space<semaphore_mem>>) src(%dma_wait3A_764 : memref<2x8x512xf32, #tpu.memory_space<hbm>>) dst(%dma_wait3A_761 : memref<2x8x512xf32, #tpu.memory_space<vmem>>)
    %add3A_765 = arith.constant 0 : i32
    %add3A_766 = arith.addi %multiple_of3A_24, %add3A_765 : i32
    %dma_start3A_767 = arith.constant 0 : i32
    %dma_start3A_768 = arith.constant 0 : i32
    %dma_start3A_769 = arith.constant 0 : i32
    %dma_start3A_770 = tpu.memref_slice %arg7[%dma_start3A_767, %dma_start3A_768, %dma_start3A_769] : memref<8x8x512xf32, #tpu.memory_space<vmem>> -> memref<2x8x512xf32, #tpu.memory_space<vmem>>
    %dma_start3A_771 = arith.constant 48 : i32
    %dma_start3A_772 = tpu.memref_slice %arg4[%dma_start3A_771, %add3A_766, %multiple_of3A] : memref<50x64x4096xf32, #tpu.memory_space<hbm>> -> memref<2x8x512xf32, #tpu.memory_space<hbm>>
    %dma_start3A_773 = arith.constant 48 : i32
    %dma_start3A_774 = tpu.memref_slice %arg4[%dma_start3A_773, %add3A_766, %multiple_of3A] : memref<50x64x4096xf32, #tpu.memory_space<hbm>> -> memref<2x8x512xf32, #tpu.memory_space<hbm>>
    %dma_start3A_775 = arith.constant 0 : i32
    %dma_start3A_776 = arith.constant 0 : i32
    %dma_start3A_777 = arith.constant 0 : i32
    %dma_start3A_778 = tpu.memref_slice %arg7[%dma_start3A_775, %dma_start3A_776, %dma_start3A_777] : memref<8x8x512xf32, #tpu.memory_space<vmem>> -> memref<2x8x512xf32, #tpu.memory_space<vmem>>
    tpu.enqueue_dma source(%dma_start3A_778 : memref<2x8x512xf32, #tpu.memory_space<vmem>>) target(%dma_start3A_774 : memref<2x8x512xf32, #tpu.memory_space<hbm>>) target_semaphore(%arg11 : memref<!tpu.dma_semaphore, #tpu.memory_space<semaphore_mem>>)
    %dma_wait3A_779 = arith.constant 0 : i32
    %dma_wait3A_780 = arith.constant 0 : i32
    %dma_wait3A_781 = arith.constant 0 : i32
    %dma_wait3A_782 = tpu.memref_slice %arg8[%dma_wait3A_779, %dma_wait3A_780, %dma_wait3A_781] : memref<8x8x512xf32, #tpu.memory_space<vmem>> -> memref<2x8x512xf32, #tpu.memory_space<vmem>>
    %dma_wait3A_783 = arith.constant 0 : i32
    %dma_wait3A_784 = arith.constant 0 : i32
    %dma_wait3A_785 = tpu.memref_slice %arg2[%dma_wait3A_783, %dma_wait3A_784, %multiple_of3A] : memref<200x64x4096xf32, #tpu.memory_space<hbm>> -> memref<2x8x512xf32, #tpu.memory_space<hbm>>
    %dma_wait3A_786 = arith.constant 0 : i32
    %dma_wait3A_787 = arith.constant 0 : i32
    %dma_wait3A_788 = arith.constant 0 : i32
    %dma_wait3A_789 = tpu.memref_slice %arg8[%dma_wait3A_786, %dma_wait3A_787, %dma_wait3A_788] : memref<8x8x512xf32, #tpu.memory_space<vmem>> -> memref<2x8x512xf32, #tpu.memory_space<vmem>>
    %dma_wait3A_790 = arith.constant 0 : i32
    %dma_wait3A_791 = arith.constant 0 : i32
    %dma_wait3A_792 = tpu.memref_slice %arg2[%dma_wait3A_790, %dma_wait3A_791, %multiple_of3A] : memref<200x64x4096xf32, #tpu.memory_space<hbm>> -> memref<2x8x512xf32, #tpu.memory_space<hbm>>
    tpu.wait_dma2 semaphore(%arg10 : memref<!tpu.dma_semaphore, #tpu.memory_space<semaphore_mem>>) src(%dma_wait3A_792 : memref<2x8x512xf32, #tpu.memory_space<hbm>>) dst(%dma_wait3A_789 : memref<2x8x512xf32, #tpu.memory_space<vmem>>)
    %add3A_793 = arith.constant 8 : i32
    %add3A_794 = arith.addi %multiple_of3A_24, %add3A_793 : i32
    %dma_start3A_795 = arith.constant 0 : i32
    %dma_start3A_796 = arith.constant 0 : i32
    %dma_start3A_797 = arith.constant 0 : i32
    %dma_start3A_798 = tpu.memref_slice %arg8[%dma_start3A_795, %dma_start3A_796, %dma_start3A_797] : memref<8x8x512xf32, #tpu.memory_space<vmem>> -> memref<2x8x512xf32, #tpu.memory_space<vmem>>
    %dma_start3A_799 = arith.constant 48 : i32
    %dma_start3A_800 = tpu.memref_slice %arg4[%dma_start3A_799, %add3A_794, %multiple_of3A] : memref<50x64x4096xf32, #tpu.memory_space<hbm>> -> memref<2x8x512xf32, #tpu.memory_space<hbm>>
    %dma_start3A_801 = arith.constant 48 : i32
    %dma_start3A_802 = tpu.memref_slice %arg4[%dma_start3A_801, %add3A_794, %multiple_of3A] : memref<50x64x4096xf32, #tpu.memory_space<hbm>> -> memref<2x8x512xf32, #tpu.memory_space<hbm>>
    %dma_start3A_803 = arith.constant 0 : i32
    %dma_start3A_804 = arith.constant 0 : i32
    %dma_start3A_805 = arith.constant 0 : i32
    %dma_start3A_806 = tpu.memref_slice %arg8[%dma_start3A_803, %dma_start3A_804, %dma_start3A_805] : memref<8x8x512xf32, #tpu.memory_space<vmem>> -> memref<2x8x512xf32, #tpu.memory_space<vmem>>
    tpu.enqueue_dma source(%dma_start3A_806 : memref<2x8x512xf32, #tpu.memory_space<vmem>>) target(%dma_start3A_802 : memref<2x8x512xf32, #tpu.memory_space<hbm>>) target_semaphore(%arg11 : memref<!tpu.dma_semaphore, #tpu.memory_space<semaphore_mem>>)
    %dma_wait3A_807 = arith.constant 0 : i32
    %dma_wait3A_808 = arith.constant 0 : i32
    %dma_wait3A_809 = arith.constant 0 : i32
    %dma_wait3A_810 = tpu.memref_slice %arg9[%dma_wait3A_807, %dma_wait3A_808, %dma_wait3A_809] : memref<8x8x512xf32, #tpu.memory_space<vmem>> -> memref<8x8x512xf32, #tpu.memory_space<vmem>>
    %dma_wait3A_811 = arith.constant 0 : i32
    %dma_wait3A_812 = arith.constant 0 : i32
    %dma_wait3A_813 = tpu.memref_slice %arg4[%dma_wait3A_811, %dma_wait3A_812, %multiple_of3A] : memref<50x64x4096xf32, #tpu.memory_space<hbm>> -> memref<8x8x512xf32, #tpu.memory_space<hbm>>
    %dma_wait3A_814 = arith.constant 0 : i32
    %dma_wait3A_815 = arith.constant 0 : i32
    %dma_wait3A_816 = tpu.memref_slice %arg4[%dma_wait3A_814, %dma_wait3A_815, %multiple_of3A] : memref<50x64x4096xf32, #tpu.memory_space<hbm>> -> memref<8x8x512xf32, #tpu.memory_space<hbm>>
    %dma_wait3A_817 = arith.constant 0 : i32
    %dma_wait3A_818 = arith.constant 0 : i32
    %dma_wait3A_819 = arith.constant 0 : i32
    %dma_wait3A_820 = tpu.memref_slice %arg9[%dma_wait3A_817, %dma_wait3A_818, %dma_wait3A_819] : memref<8x8x512xf32, #tpu.memory_space<vmem>> -> memref<8x8x512xf32, #tpu.memory_space<vmem>>
    tpu.wait_dma2 semaphore(%arg11 : memref<!tpu.dma_semaphore, #tpu.memory_space<semaphore_mem>>) src(%dma_wait3A_820 : memref<8x8x512xf32, #tpu.memory_space<vmem>>) dst(%dma_wait3A_816 : memref<8x8x512xf32, #tpu.memory_space<hbm>>)
    %dma_wait3A_821 = arith.constant 0 : i32
    %dma_wait3A_822 = arith.constant 0 : i32
    %dma_wait3A_823 = arith.constant 0 : i32
    %dma_wait3A_824 = tpu.memref_slice %arg7[%dma_wait3A_821, %dma_wait3A_822, %dma_wait3A_823] : memref<8x8x512xf32, #tpu.memory_space<vmem>> -> memref<2x8x512xf32, #tpu.memory_space<vmem>>
    %dma_wait3A_825 = arith.constant 0 : i32
    %dma_wait3A_826 = arith.constant 0 : i32
    %dma_wait3A_827 = tpu.memref_slice %arg4[%dma_wait3A_825, %dma_wait3A_826, %multiple_of3A] : memref<50x64x4096xf32, #tpu.memory_space<hbm>> -> memref<2x8x512xf32, #tpu.memory_space<hbm>>
    %dma_wait3A_828 = arith.constant 0 : i32
    %dma_wait3A_829 = arith.constant 0 : i32
    %dma_wait3A_830 = tpu.memref_slice %arg4[%dma_wait3A_828, %dma_wait3A_829, %multiple_of3A] : memref<50x64x4096xf32, #tpu.memory_space<hbm>> -> memref<2x8x512xf32, #tpu.memory_space<hbm>>
    %dma_wait3A_831 = arith.constant 0 : i32
    %dma_wait3A_832 = arith.constant 0 : i32
    %dma_wait3A_833 = arith.constant 0 : i32
    %dma_wait3A_834 = tpu.memref_slice %arg7[%dma_wait3A_831, %dma_wait3A_832, %dma_wait3A_833] : memref<8x8x512xf32, #tpu.memory_space<vmem>> -> memref<2x8x512xf32, #tpu.memory_space<vmem>>
    tpu.wait_dma2 semaphore(%arg11 : memref<!tpu.dma_semaphore, #tpu.memory_space<semaphore_mem>>) src(%dma_wait3A_834 : memref<2x8x512xf32, #tpu.memory_space<vmem>>) dst(%dma_wait3A_830 : memref<2x8x512xf32, #tpu.memory_space<hbm>>)
    %dma_wait3A_835 = arith.constant 0 : i32
    %dma_wait3A_836 = arith.constant 0 : i32
    %dma_wait3A_837 = arith.constant 0 : i32
    %dma_wait3A_838 = tpu.memref_slice %arg8[%dma_wait3A_835, %dma_wait3A_836, %dma_wait3A_837] : memref<8x8x512xf32, #tpu.memory_space<vmem>> -> memref<2x8x512xf32, #tpu.memory_space<vmem>>
    %dma_wait3A_839 = arith.constant 0 : i32
    %dma_wait3A_840 = arith.constant 0 : i32
    %dma_wait3A_841 = tpu.memref_slice %arg4[%dma_wait3A_839, %dma_wait3A_840, %multiple_of3A] : memref<50x64x4096xf32, #tpu.memory_space<hbm>> -> memref<2x8x512xf32, #tpu.memory_space<hbm>>
    %dma_wait3A_842 = arith.constant 0 : i32
    %dma_wait3A_843 = arith.constant 0 : i32
    %dma_wait3A_844 = tpu.memref_slice %arg4[%dma_wait3A_842, %dma_wait3A_843, %multiple_of3A] : memref<50x64x4096xf32, #tpu.memory_space<hbm>> -> memref<2x8x512xf32, #tpu.memory_space<hbm>>
    %dma_wait3A_845 = arith.constant 0 : i32
    %dma_wait3A_846 = arith.constant 0 : i32
    %dma_wait3A_847 = arith.constant 0 : i32
    %dma_wait3A_848 = tpu.memref_slice %arg8[%dma_wait3A_845, %dma_wait3A_846, %dma_wait3A_847] : memref<8x8x512xf32, #tpu.memory_space<vmem>> -> memref<2x8x512xf32, #tpu.memory_space<vmem>>
    tpu.wait_dma2 semaphore(%arg11 : memref<!tpu.dma_semaphore, #tpu.memory_space<semaphore_mem>>) src(%dma_wait3A_848 : memref<2x8x512xf32, #tpu.memory_space<vmem>>) dst(%dma_wait3A_844 : memref<2x8x512xf32, #tpu.memory_space<hbm>>)
    return
  }
}

</mosaic_0001>

<sc_bundles>
// kernel: kernel.3.cloned.1.call-start
scs
__scs_entry_jumppad:
0x0: {  	(pc) =	sbr.rel $0x88, $3  }
0x1: {  	(tag) =	ssettag $0x0;
	lr =	simm.s32 $0x1  }
0x2: {  	[smem:$0x3F9F] =	sst lr;
	_ =	strace $0xD0000000  }
0x3: {  	_ = 	snop  }
0x4: {  	_ = 	snop  }
0x5: {  	_ = 	snop  }
0x6: {  	_ = 	snop  }
0x7: {  	_ = 	snop  }
__scs_overlays_trampoline_lowered:
0x8: {  	[smem:$0x3FAE] =	sst s0  }
0x9: {  	[smem:$0x3FAF] =	sst s1  }
0xa: {  	[smem:$0x3FB0] =	sst s2  }
0xb: {  	[smem:$0x3FB1] =	sst s3  }
0xc: {  	[smem:$0x3FB2] =	sst s4  }
0xd: {  	[smem:$0x3FB3] =	sst s5  }
0xe: {  	[smem:$0x3FB4] =	sst s6  }
0xf: {  	[smem:$0x3FB5] =	sst s7  }
0x10: {  	[smem:$0x3FB6] =	sst s8  }
0x11: {  	[smem:$0x3FB7] =	sst s9;
	s0 =	simm.s32 @!p0 $0x0  }
0x12: {  	s1 =	sld [smem:$0x3F9D];
	s0 =	simm.s32 @p0 $0x1  }
0x13: {  	[smem:$0x3FB8] =	sst s0;
	s0 =	simm.s32 @!p1 $0x0  }
0x14: {  	s2 =	sld [smem:$0x3F9C];
	s0 =	simm.s32 @p1 $0x1  }
0x15: {  	[smem:$0x3FB9] =	sst s0;
	s0 =	simm.s32 @!p2 $0x0  }
0x16: {  	s3 =	sld [smem:$0x3FDB];
	s0 =	simm.s32 @p2 $0x1  }
0x17: {  	s4 =	simm.s32 $0x1BF5;
	[smem:$0x3FBB] =	sst s0  }
0x18: {  	s0 =	sld [smem:$0x3F9E];
	_ =	swait.ge [sflag:s4], $0x0  }
0x19: {  	s7 =	sld [smem:$0x3F9F]  }
0x1a: {  	s8 =	sadd.s32 $0xFFFFE003, lr  }
0x1b: {  	s9 =	sadd.s32 $0xFFFFFEF7, lr;
	s5 =	simm.s32 $0xFFFFFFFF;
	p2 =	slt.u32 s8, $0xFFFFF086  }
0x1c: {  	p1 =	slt.u32 s9, $0xF7A;
	s5 =	simm.s32 @!p2 $0x0  }
0x1d: {  	s5 =	simm.s32 @p1 $0x1;
	p0 =	seq.s32 s7, s2  }
0x1e: {  	s7 =	smul.u32 @!p0 $0xF7A, s2;
	p2 =	seq.s32 @!p0 s5, $0x0  }
0x1f: {  	s9 =	smul.u32 $0xF7A, s1;
	s8 =	simm.s32 @!p0 $0x1BF5;
	p2 =	por !p2, p0  }
0x20: {  	[sflag:s8] =	ssyncset.s32 @!p0 $0xFFFFF086;
	s6 =	sadd.s32 @!p0 s3, s7;
	s7 =	simm.s32 @!p0 $0x108  }
0x21: {  	s3 =	sadd.s32 s3, s9;
	s6 =	sadd.s32 @!p0 $0x88, s6;
	s7 =	simm.s32 @p2 $0x1082  }
0x22: {  	[simem:s7], [sflag:s8] =	dma.local @!p0 [hbm:s6], $0xF7A  }
0x23: {  	s9 =	sor.u32 $0xD0000000, s2;
	s6 =	simm.s32 $0x108;
	_ =	swait.ge @!p0 [sflag:s8], $0x0  }
0x24: {  	s3 =	sadd.s32 $0x88, s3;
	s6 =	simm.s32 @!p1 $0x1082;
	[sflag:s4] =	ssyncset.s32 $0xFFFFF086  }
0x25: {  	[simem:s6], [sflag:s4] =	dma.local [hbm:s3], $0xF7A  }
0x26: {  	[smem:$0x3F9F] =	sst s1;
	(tag) =	ssettag s2;
	_ =	strace s9  }
0x27: {  	s1 =	sld [smem:$0x3FAF]  }
0x28: {  	s2 =	sld [smem:$0x3FB0]  }
0x29: {  	s4 =	sld [smem:$0x3FB2]  }
0x2a: {  	p0 =	seq.s32 s5, $0x0;
	s5 =	sld [smem:$0x3FB3]  }
0x2b: {  	s6 =	sld [smem:$0x3FB4]  }
0x2c: {  	s7 =	sld [smem:$0x3FB5]  }
0x2d: {  	s3 =	simm.s32 $0x108;
	s8 =	sld [smem:$0x3FB6]  }
0x2e: {  	s3 =	simm.s32 @!p0 $0x1082;
	s9 =	sld [smem:$0x3FB7]  }
0x2f: {  	lr =	sadd.s32 s0, s3;
	s0 =	sld [smem:$0x3FAE]  }
0x30: {  	s3 =	sld [smem:$0x3FB1]  }
0x31: {  	[smem:$0x3FBA] =	sst s10  }
0x32: {  	s10 =	sld [smem:$0x3FB8];
	_ =	sdelay $0x3  }
0x33: {  	p0 =	seq.s32 s10, $0x1;
	s10 =	sld [smem:$0x3FBA];
	_ =	sdelay $0x3  }
0x34: {  	[smem:$0x3FBA] =	sst s10  }
0x35: {  	s10 =	sld [smem:$0x3FB9];
	_ =	sdelay $0x3  }
0x36: {  	p1 =	seq.s32 s10, $0x1;
	s10 =	sld [smem:$0x3FBA];
	_ =	sdelay $0x3  }
0x37: {  	[smem:$0x3FBA] =	sst s10  }
0x38: {  	s10 =	sld [smem:$0x3FBB]  }
0x39: {  	_ = 	snop;
	(pc) =	sbr.ind lr, $3  }
0x3a: {  	_ = 	snop  }
0x3b: {  	_ = 	snop  }
0x3c: {  	p2 =	seq.s32 s10, $0x1;
	s10 =	sld [smem:$0x3FBA]  }
0x3d: {  	_ =	shalt  }
0x3e: {  	_ =	shalt  }
0x3f: {  	_ =	shalt  }
0x40: {  	_ =	shalt  }
0x41: {  	_ =	shalt  }
0x42: {  	_ =	shalt  }
0x43: {  	_ =	shalt  }
0x44: {  	_ =	shalt  }
0x45: {  	_ =	shalt  }
0x46: {  	_ =	shalt  }
0x47: {  	_ =	shalt  }
0x48: {  	_ =	shalt  }
0x49: {  	_ =	shalt  }
0x4a: {  	_ =	shalt  }
0x4b: {  	_ =	shalt  }
0x4c: {  	_ =	shalt  }
0x4d: {  	_ =	shalt  }
0x4e: {  	_ =	shalt  }
0x4f: {  	_ =	shalt  }
0x50: {  	_ =	shalt  }
0x51: {  	_ =	shalt  }
0x52: {  	_ =	shalt  }
0x53: {  	_ =	shalt  }
0x54: {  	_ =	shalt  }
0x55: {  	_ =	shalt  }
0x56: {  	_ =	shalt  }
0x57: {  	_ =	shalt  }
0x58: {  	_ =	shalt  }
0x59: {  	_ =	shalt  }
0x5a: {  	_ =	shalt  }
0x5b: {  	_ =	shalt  }
0x5c: {  	_ =	shalt  }
0x5d: {  	_ =	shalt  }
0x5e: {  	_ =	shalt  }
0x5f: {  	_ =	shalt  }
0x60: {  	_ =	shalt  }
0x61: {  	_ =	shalt  }
0x62: {  	_ =	shalt  }
0x63: {  	_ =	shalt  }
0x64: {  	_ =	shalt  }
0x65: {  	_ =	shalt  }
0x66: {  	_ =	shalt  }
0x67: {  	_ =	shalt  }
0x68: {  	_ =	shalt  }
0x69: {  	_ =	shalt  }
0x6a: {  	_ =	shalt  }
0x6b: {  	_ =	shalt  }
0x6c: {  	_ =	shalt  }
0x6d: {  	_ =	shalt  }
0x6e: {  	_ =	shalt  }
0x6f: {  	_ =	shalt  }
0x70: {  	_ =	shalt  }
0x71: {  	_ =	shalt  }
0x72: {  	_ =	shalt  }
0x73: {  	_ =	shalt  }
0x74: {  	_ =	shalt  }
0x75: {  	_ =	shalt  }
0x76: {  	_ =	shalt  }
0x77: {  	_ =	shalt  }
0x78: {  	_ =	shalt  }
0x79: {  	_ =	shalt  }
0x7a: {  	_ =	shalt  }
0x7b: {  	_ =	shalt  }
0x7c: {  	_ =	shalt  }
0x7d: {  	_ =	shalt  }
0x7e: {  	_ =	shalt  }
0x7f: {  	_ =	shalt  }
0x80: {  	_ =	shalt  }
0x81: {  	_ =	shalt  }
0x82: {  	_ =	shalt  }
0x83: {  	_ =	shalt  }
0x84: {  	_ =	shalt  }
0x85: {  	_ =	shalt  }
0x86: {  	_ =	shalt  }
0x87: {  	_ =	shalt  }
.Lfunc_end0:
.L_simem_size_0:
called_computation_lowered:
.L_overlay_start_0:
0x88: {  	s2 =	sld [smem:$0x3FD9]  }
0x89: {  	s3 =	sld [smem:$0x3FFE];
	_ =	sdelay $0x1  }
0x8a: {  	s1 =	srdreg.scid  }
0x8b: {  	s0 =	sand.u32 $0x1, s1  }
0x8c: {  	s18 =	sshll.u32 s0, $0xA;
	s2 =	sadd.s32 s3, s2  }
0x8d: {  	s2 =	sadd.s32 s2, s18  }
0x8e: {  	[smem:$0x3FC6] =	sst s2  }
0x8f: {  	_ = 	snop  }
0x90: {  	s2 =	sld [smem:$0x3FC9]  }
0x91: {  	s19 =	sld [smem:$0x3FC8]  }
0x92: {  	s4 =	sld [smem:$0x3FD0];
	(tm) =	ssettm $0x1  }
0x93: {  	s5 =	sld [smem:$0x3FFB];
	_ =	sdelay $0x3  }
0x94: {  	_ =	strace s5  }
0x95: {  	s5 =	sld [smem:$0x3FFC];
	_ =	sdelay $0x3  }
0x96: {  	_ =	strace s5  }
0x97: {  	s5 =	sld [smem:$0x3FFD];
	_ =	sdelay $0x3  }
0x98: {  	_ =	strace s5  }
0x99: {  	_ =	strace $0x8FFFFFFF  }
0x9a: {  	s20 =	sld [smem:$0x3FDB];
	_ =	sdelay $0x1  }
0x9b: {  	s6 =	simm.s32 $_scs_section_size  }
0x9c: {  	s7 =	simm.s32 $_size__tile_overlayer_lowered;
	s8 =	simm.s32 $_tile_overlayer_lowered  }
0x9d: {  	s23 =	simm.s32 $0x1BFF;
	s22 =	sshll.u32 s8, $0x1;
	s5 =	sadd.s32 s6, s20  }
0x9e: {  	s9 =	simm.s32 $0x0;
	s21 =	sshll.u32 s7, $0x1;
	s7 =	sadd.s32 s22, s5  }
0x9f: {  	[timem:s9], [sflag:s23] =	dma.local [hbm:s7], s21  }
0xa0: {  	_ =	swait.ge [sflag:s23], s21  }
0xa1: {  	s6 =	ssub.s32 $0x0, s21;
	[sflag:s23] =	ssyncset.done $0x0  }
0xa2: {  	[sflag:s23] =	ssyncadd.s32 s6;
	_ =	sdelay $0x1  }
0xa3: {  	s24 =	simm.s32 $0x1B8B  }
0xa4: {  	_ =	swait.ge [sflag:s24], $0x1  }
0xa5: {  	[sflag:s24] =	ssyncset.done $0x0  }
0xa6: {  	s25 =	simm.s32 $0x1B8E;
	[sflag:s24] =	ssyncadd.s32 $0xFFFFFFFF  }
0xa7: {  	s26 =	simm.s32 $execute0_lowered;
	[smem:$0x3FD2] =	sst s25  }
0xa8: {  	s6 =	sshll.u32 s26, $0x1;
	_ =	strace $0x80000046;
	[dreg:$0x1] =	wrdreg $0xFFFFFFFF  }
0xa9: {  	s28 =	simm.s32 $_size_execute0_lowered;
	s5 =	sadd.s32 s5, s6;
	[dreg:$0x0] =	wrdreg $0x0  }
0xaa: {  	s6 =	sshll.u32 s28, $0x1;
	[dreg:$0x2] =	wrdreg s5  }
0xab: {  	[dreg:$0x3] =	wrdreg s6  }
0xac: {  	[dreg:$0x4] =	wrdreg $0xC0  }
0xad: {  	_ =	task [dreg:s9], $0x5FFFF  }
0xae: {  	[dreg:$0x1] =	wrdreg $0xFFFFFFFF  }
0xaf: {  	[dreg:$0x0] =	wrdreg $0x60  }
0xb0: {  	[dreg:$0x2] =	wrdreg s2  }
0xb1: {  	[dreg:$0x3] =	wrdreg s19  }
0xb2: {  	[dreg:$0x4] =	wrdreg s4  }
0xb3: {  	[dreg:$0x5] =	wrdreg $0x9  }
0xb4: {  	_ =	task.clear_ibuf [dreg:s9], $0x6FFFF;
	_ =	strace $0x90000046  }
0xb5: {  	s29 =	simm.s32 $0x9;
	_ =	strace $0x80000048  }
0xb6: {  	_ =	swait.ge [sflag:s29], $0x1  }
0xb7: {  	[sflag:s29] =	ssyncadd.s32 $0xFFFFFFFF  }
0xb8: {  	_ =	strace $0x90000048  }
0xb9: {  	_ =	sfence  }
0xba: {  	s30 =	sld [smem:$0x0];
	_ =	sdelay $0x2  }
0xbb: {  	s31 =	sshll.u32 s1, $0xD;
	s1 =	sshrl.u32 s1, $0x2  }
0xbc: {  	s3 =	sand.u32 $0x4000, s31;
	s1 =	sadd.s32 s1, s30  }
0xbd: {  	s0 =	sor.u32 s3, s0;
	s1 =	sshll.u32 s1, $0x11  }
0xbe: {  	s0 =	sor.u32 s1, s0  }
0xbf: {  	s0 =	sadd.s32 $0x8F2B, s0  }
0xc0: {  	[sflag:s0] =	ssyncadd.remote.s32 $0x1  }
0xc1: {  	_ =	sfence.sel $0xFFFF  }
0xc2: {  	[dreg:$0x0] =	wrdreg $0xFFFFFFFF;
	(pc) =	sbr.abs _section_cstart, $3  }
0xc3: {  	[dreg:$0x1] =	wrdreg $0xFFFFFFFF  }
0xc4: {  	_ =	task.clear_ibuf [dreg:s9], $0x2FFFF;
	_ =	strace $0x9FFFFFFF  }
0xc5: {  	(tm) =	ssettm $0x7FFFFFFF  }
tec
execute0_lowered:
.L_overlay_start_1:
0x0: {  	(tag) =	ssettag $0x1  }
0x1: {  	s1 =	srdreg.scid  }
0x2: {  	s0 =	rddreg [dreg:$0x0];
	s5 =	stileid.u32;
	s3 =	sand.u32 $0x1, s1  }
0x3: {  	s4 =	sshrl.u32 s5, $0x1;
	s25 =	sshll.u32 s5, $0x5;
	s26 =	sshll.u32 s3, $0x4  }
0x4: {  	s2 =	rddreg [dreg:$0x1];
	s29 =	sshll.u32 s4, $0x6;
	s28 =	sor.u32 s26, s25  }
0x5: {  	s30 =	simm.s32 $0x0;
	[dreg:$0x4] =	wrdreg s2;
	s2 =	ssub.s32 s28, s29  }
0x6: {  	s1 =	rddreg [dreg:$0x2];
	s5 =	ssub.s32 $0x2, s3;
	s2 =	sor.u32 s4, s2  }
0x7: {  	[smem:$0x7FF] =	sst s30;
	s6 =	sshrl.u32 s5, $0x1;
	s4 =	sshll.u32 s2, $0xC  }
0x8: {  	_ =	strace $0x80000047;
	s5 =	ssub.s32 s5, s6;
	s2 =	sshrl.u32 s4, $0x3  }
0x9: {  	s8 =	sadd.s32 $0x200000, s4;
	s9 =	sadd.s32 $0x208000, s4;
	s13 =	sadd.s32 $0x408000, s4  }
0xa: {  	s15 =	sadd.s32 $0x600000, s4;
	s16 =	sadd.s32 $0x608000, s4;
	s20 =	sadd.s32 $0x800000, s4  }
0xb: {  	s22 =	sadd.s32 $0x808000, s4;
	s23 =	sadd.s32 $0xA00000, s4;
	s28 =	sadd.s32 $0xA08000, s4  }
0xc: {  	s30 =	sadd.s32 $0xC00000, s4;
	s3 =	sor.u32 $0x1000, s2;
	s7 =	sadd.s32 s1, s2  }
0xd: {  	s8 =	sshrl.u32 s8, $0x3;
	s2 =	sadd.s32 s0, s2;
	[dreg:$0x5] =	wrdreg s7  }
0xe: {  	s14 =	sshrl.u32 s13, $0x3;
	s31 =	sadd.s32 s1, s3;
	[dreg:$0x13] =	wrdreg s2  }
0xf: {  	s18 =	sshrl.u32 s16, $0x3;
	s7 =	sadd.s32 s1, s8;
	[dreg:$0x6] =	wrdreg s31  }
0x10: {  	s25 =	sshrl.u32 s23, $0x3;
	s19 =	sadd.s32 s1, s18;
	[dreg:$0x7] =	wrdreg s7  }
0x11: {  	s21 =	sshrl.u32 s20, $0x3;
	s26 =	sadd.s32 s1, s25;
	[dreg:$0xc] =	wrdreg s19  }
0x12: {  	s8 =	sshrl.u32 s9, $0x3;
	s0 =	sadd.s32 s0, s3;
	[dreg:$0xf] =	wrdreg s26  }
0x13: {  	s9 =	sadd.s32 $0x400000, s4;
	s10 =	sadd.s32 s1, s8;
	[dreg:$0x14] =	wrdreg s0  }
0x14: {  	s11 =	sshrl.u32 s9, $0x3;
	s7 =	sadd.s32 s1, s14;
	[dreg:$0x8] =	wrdreg s10  }
0x15: {  	v0 =	vimm.s32 $0xECA86420;
	s8 =	sshrl.u32 s15, $0x3;
	s12 =	sadd.s32 s1, s11;
	[dreg:$0xa] =	wrdreg s7  }
0x16: {  	vm0 =	vcmask $0xB08;
	vm1 =	vcmask $0x1310;
	vm2 =	vcmask $0x1B18;
	s29 =	sshrl.u32 s28, $0x3;
	s17 =	sadd.s32 s1, s8;
	[dreg:$0x9] =	wrdreg s12  }
0x17: {  	vm3 =	vcmask $0x300;
	vm4 =	vcmask $0x2320;
	vm5 =	vcmask $0x2B28;
	s7 =	sadd.s32 s1, s21;
	s8 =	sshrl.u32 s22, $0x3;
	[dreg:$0xb] =	wrdreg s17  }
0x18: {  	v1 =	vlaneseq.u32;
	vm6 =	vcmask $0x3330;
	vm7 =	vcmask $0x3B38;
	s4 =	sadd.s32 $0xC08000, s4;
	[dreg:$0xd] =	wrdreg s7;
	s24 =	sadd.s32 s1, s8  }
0x19: {  	vm8 =	vmmov $0xff;
	vm9 =	vmmov $0x3;
	v3 =	vimm.s32 $0x0;
	s7 =	sadd.s32 s1, s29;
	s8 =	sshrl.u32 s30, $0x3;
	[dreg:$0xe] =	wrdreg s24  }
0x1a: {  	vm11 =	vcmask $0xF0C;
	vm12 =	vcmask $0x1714;
	v0 =	vunpack.c.l.s4.s8 v0;
	s4 =	sshrl.u32 s4, $0x3;
	[dreg:$0x10] =	wrdreg s7;
	s31 =	sadd.s32 s1, s8  }
0x1b: {  	vm13 =	vcmask $0x1F1C;
	vm14 =	vcmask $0x2724;
	v3 =	vsel vm9, $0xFFFFFFFF, v3;
	s13 =	simm.s32 $0x2;
	s1 =	sadd.s32 s1, s4;
	[dreg:$0x11] =	wrdreg s31  }
0x1c: {  	vm15 =	vcmask $0x2F2C;
	v2 =	vmul.u32 $0x2, v1;
	[tilespmem:$0x1FFF0] =	vst v3;
	v0 =	vunpack.c.0.s8.s32 v0;
	s0 =	smax.u32 s5, $0x1;
	s9 =	simm.s32 $0x1;
	[dreg:$0x12] =	wrdreg s1  }
.LBB2_1:
0x1d: {  	[dreg:$0x15] =	wrdreg s0  }
0x1e: {  	s25 =	rddreg [dreg:$0x4];
	s1 =	simm.s32 $0x0;
	s26 =	simm.s32 $0x3  }
0x1f: {  	[tilespmem:s1], [sflag:$0x3] =	stream.linear.gather [hbm4b:s25+s1], $0x32, $0x38;
	[tilespmem:$0x18280] =	vst v63  }
0x20: {  	_ =	swait.ge [sflag:s26], $0x32  }
0x21: {  	[sflag:s26] =	ssyncset.done $0x0  }
0x22: {  	[sflag:s26] =	ssyncadd.s32 $0xFFFFFFCE  }
0x23: {  	v3 =	vld [tilespmem:$0x0];
	_ =	sdelay $0x4  }
0x24: {  	(v2sf) =	vpush v3, $0xD;
	_ =	sdelay $0x1  }
0x25: {  	(v2sf) =	vpush v3, $0xC;
	_ =	sdelay $0x1  }
0x26: {  	(v2sf) =	vpush v3, $0xE;
	_ =	sdelay $0x1  }
0x27: {  	(v2sf) =	vpush v3, $0xF  }
0x28: {  	(v2sf) =	vpush v3, $0x9;
	_ =	sdelay $0x1  }
0x29: {  	(v2sf) =	vpush v3, $0x8  }
0x2a: {  	(v2sf) =	vpush v3, $0xA;
	_ =	sdelay $0x2  }
0x2b: {  	(v2sf) =	vpush v3, $0xB;
	_ =	sdelay $0x1  }
0x2c: {  	s28 =	spop (v2sf);
	(v2sf) =	vpush v3, $0x0  }
0x2d: {  	s29 =	smulhi.u32 $0x51EB851F, s28;
	s0 =	sshra.s32 s28, $0x1F  }
0x2e: {  	s30 =	spop (v2sf);
	(v2sf) =	vpush v3, $0x1;
	s3 =	smul.u32 $0x51EB851F, s0  }
0x2f: {  	s19 =	smulhi.u32 $0x51EB851F, s30;
	s0 =	sshra.s32 s30, $0x1F  }
0x30: {  	s31 =	spop (v2sf);
	(v2sf) =	vpush v3, $0x2;
	s7 =	smul.u32 $0x51EB851F, s0  }
0x31: {  	s20 =	smulhi.u32 $0x51EB851F, s31;
	s0 =	sshra.s32 s31, $0x1F  }
0x32: {  	s1 =	spop (v2sf);
	(v2sf) =	vpush v3, $0x3;
	s11 =	smul.u32 $0x51EB851F, s0  }
0x33: {  	s21 =	smulhi.u32 $0x51EB851F, s1;
	s0 =	sshra.s32 s1, $0x1F;
	s2 =	spop (v2sf);
	(v2sf) =	vpush v3, $0x4  }
0x34: {  	s8 =	smul.u32 $0x51EB851F, s0  }
0x35: {  	s22 =	smulhi.u32 $0x51EB851F, s2;
	s0 =	sshra.s32 s2, $0x1F;
	s4 =	spop (v2sf);
	(v2sf) =	vpush v3, $0x5  }
0x36: {  	v4 =	vld [tilespmem:$0x10];
	s17 =	smul.u32 $0x51EB851F, s0;
	s5 =	spop (v2sf);
	(v2sf) =	vpush v3, $0x6  }
0x37: {  	s23 =	smulhi.u32 $0x51EB851F, s4;
	s0 =	sshra.s32 s4, $0x1F  }
0x38: {  	s15 =	smul.u32 $0x51EB851F, s0  }
0x39: {  	s24 =	smulhi.u32 $0x51EB851F, s5;
	s0 =	sshra.s32 s5, $0x1F;
	s6 =	spop (v2sf);
	(v2sf) =	vpush v3, $0x7  }
0x3a: {  	s26 =	smul.u32 $0x51EB851F, s0  }
0x3b: {  	s25 =	smulhi.u32 $0x51EB851F, s6;
	s0 =	sshra.s32 s6, $0x1F;
	s10 =	spop (v2sf);
	(v2sf) =	vpush v4, $0xD  }
0x3c: {  	[smem:$0x7A4] =	sst s29;
	s29 =	smul.u32 $0x51EB851F, s0  }
0x3d: {  	s28 =	smulhi.u32 $0x51EB851F, s10;
	s12 =	spop (v2sf)  }
0x3e: {  	(v2sf) =	vpush v4, $0xC;
	s31 =	smulhi.u32 $0x51EB851F, s12;
	s1 =	sshra.s32 s12, $0x1F  }
0x3f: {  	s14 =	spop (v2sf);
	s12 =	smul.u32 $0x51EB851F, s1  }
0x40: {  	s2 =	smulhi.u32 $0x51EB851F, s14;
	s1 =	sshra.s32 s14, $0x1F  }
0x41: {  	(v2sf) =	vpush v4, $0xE;
	s16 =	spop (v2sf);
	s4 =	smul.u32 $0x51EB851F, s1  }
0x42: {  	s18 =	smulhi.u32 $0x51EB851F, s16;
	s1 =	sshra.s32 s16, $0x1F;
	s30 =	spop (v2sf)  }
0x43: {  	[smem:$0x7A5] =	sst s2;
	s16 =	smul.u32 $0x51EB851F, s1  }
0x44: {  	s0 =	sshra.s32 s10, $0x1F;
	(v2sf) =	vpush v4, $0xF;
	s5 =	smulhi.u32 $0x51EB851F, s30;
	s6 =	spop (v2sf)  }
0x45: {  	s1 =	sshra.s32 s30, $0x1F;
	s10 =	smulhi.u32 $0x51EB851F, s6;
	s14 =	spop (v2sf)  }
0x46: {  	[smem:$0x7A7] =	sst s5;
	s5 =	smul.u32 $0x51EB851F, s1  }
0x47: {  	(v2sf) =	vpush v4, $0x9;
	[smem:$0x7A6] =	sst s18;
	s1 =	sshra.s32 s6, $0x1F;
	s6 =	smulhi.u32 $0x51EB851F, s14  }
0x48: {  	s18 =	spop (v2sf);
	[smem:$0x7A8] =	sst s10  }
0x49: {  	s2 =	sshra.s32 s14, $0x1F;
	s10 =	smulhi.u32 $0x51EB851F, s18;
	[smem:$0x7A9] =	sst s6  }
0x4a: {  	(v2sf) =	vpush v4, $0x8;
	s6 =	smul.u32 $0x51EB851F, s2;
	s14 =	spop (v2sf)  }
0x4b: {  	s30 =	smulhi.u32 $0x51EB851F, s14;
	s14 =	sshra.s32 s14, $0x1F  }
0x4c: {  	s14 =	smul.u32 $0x51EB851F, s14  }
0x4d: {  	(v2sf) =	vpush v4, $0xA;
	s2 =	sshra.s32 s18, $0x1F;
	s18 =	spop (v2sf);
	[smem:$0x7AB] =	sst s30  }
0x4e: {  	s30 =	smulhi.u32 $0x51EB851F, s18;
	[smem:$0x7AC] =	sst s14;
	s14 =	sshra.s32 s18, $0x1F  }
0x4f: {  	s14 =	smul.u32 $0x51EB851F, s14  }
0x50: {  	(v2sf) =	vpush v4, $0xB;
	s18 =	spop (v2sf);
	[smem:$0x7AD] =	sst s30  }
0x51: {  	s30 =	smulhi.u32 $0x51EB851F, s18;
	[smem:$0x7AE] =	sst s14;
	s14 =	sshra.s32 s18, $0x1F  }
0x52: {  	(v2sf) =	vpush v4, $0x0;
	s14 =	smul.u32 $0x51EB851F, s14  }
0x53: {  	[smem:$0x7AF] =	sst s30;
	s18 =	spop (v2sf)  }
0x54: {  	(v2sf) =	vpush v4, $0x1;
	s30 =	smulhi.u32 $0x51EB851F, s18;
	[smem:$0x7B0] =	sst s14;
	s14 =	sshra.s32 s18, $0x1F  }
0x55: {  	s14 =	smul.u32 $0x51EB851F, s14  }
0x56: {  	[smem:$0x7B1] =	sst s30;
	s18 =	spop (v2sf)  }
0x57: {  	s30 =	smulhi.u32 $0x51EB851F, s18;
	[smem:$0x7B2] =	sst s14;
	s14 =	sshra.s32 s18, $0x1F  }
0x58: {  	(v2sf) =	vpush v4, $0x2;
	s14 =	smul.u32 $0x51EB851F, s14  }
0x59: {  	[smem:$0x7B3] =	sst s30;
	s18 =	spop (v2sf)  }
0x5a: {  	(v2sf) =	vpush v4, $0x3;
	s30 =	smulhi.u32 $0x51EB851F, s18;
	[smem:$0x7B4] =	sst s14;
	s14 =	sshra.s32 s18, $0x1F  }
0x5b: {  	s14 =	smul.u32 $0x51EB851F, s14  }
0x5c: {  	[smem:$0x7B5] =	sst s30;
	s18 =	spop (v2sf)  }
0x5d: {  	s30 =	smulhi.u32 $0x51EB851F, s18;
	[smem:$0x7B6] =	sst s14;
	s14 =	sshra.s32 s18, $0x1F  }
0x5e: {  	(v2sf) =	vpush v4, $0x4;
	s14 =	smul.u32 $0x51EB851F, s14  }
0x5f: {  	[smem:$0x7B7] =	sst s30;
	s18 =	spop (v2sf)  }
0x60: {  	s30 =	smulhi.u32 $0x51EB851F, s18;
	[smem:$0x7B8] =	sst s14;
	s14 =	sshra.s32 s18, $0x1F  }
0x61: {  	s18 =	spop (v2sf);
	s14 =	smul.u32 $0x51EB851F, s14  }
0x62: {  	(v2sf) =	vpush v4, $0x5;
	[smem:$0x7B9] =	sst s30;
	s30 =	smulhi.u32 $0x51EB851F, s18  }
0x63: {  	[smem:$0x7BA] =	sst s14;
	s14 =	sshra.s32 s18, $0x1F;
	s18 =	spop (v2sf)  }
0x64: {  	[smem:$0x7AA] =	sst s10;
	s10 =	smul.u32 $0x51EB851F, s14;
	s14 =	sshra.s32 s18, $0x1F  }
0x65: {  	s14 =	smul.u32 $0x51EB851F, s14  }
0x66: {  	(v2sf) =	vpush v4, $0x6;
	[smem:$0x7BB] =	sst s30;
	s30 =	smulhi.u32 $0x51EB851F, s18  }
0x67: {  	[smem:$0x7BD] =	sst s14;
	s14 =	spop (v2sf)  }
0x68: {  	[smem:$0x7BC] =	sst s30;
	s18 =	smulhi.u32 $0x51EB851F, s14;
	s14 =	sshra.s32 s14, $0x1F  }
0x69: {  	v5 =	vld [tilespmem:$0x20];
	s30 =	smul.u32 $0x51EB851F, s14;
	s14 =	spop (v2sf)  }
0x6a: {  	(v2sf) =	vpush v4, $0x7;
	[smem:$0x7BE] =	sst s18;
	s18 =	smulhi.u32 $0x51EB851F, s14;
	s14 =	sshra.s32 s14, $0x1F  }
0x6b: {  	s14 =	smul.u32 $0x51EB851F, s14;
	_ =	sdelay $0x1  }
0x6c: {  	[smem:$0x7C0] =	sst s14;
	s14 =	spop (v2sf)  }
0x6d: {  	(v2sf) =	vpush v5, $0xD;
	[smem:$0x7BF] =	sst s18;
	s18 =	smulhi.u32 $0x51EB851F, s14;
	s14 =	sshra.s32 s14, $0x1F  }
0x6e: {  	s14 =	smul.u32 $0x51EB851F, s14;
	_ =	sdelay $0x1  }
0x6f: {  	[smem:$0x7C2] =	sst s14;
	s14 =	spop (v2sf)  }
0x70: {  	[smem:$0x7C1] =	sst s18;
	s18 =	smulhi.u32 $0x51EB851F, s14;
	s14 =	sshra.s32 s14, $0x1F  }
0x71: {  	s7 =	sadd.s32 s7, s19;
	s14 =	smul.u32 $0x51EB851F, s14  }
0x72: {  	[smem:$0x7D7] =	sst s7  }
0x73: {  	s11 =	sadd.s32 s11, s20;
	(v2sf) =	vpush v5, $0xC;
	[smem:$0x7C4] =	sst s14;
	s14 =	spop (v2sf)  }
0x74: {  	[smem:$0x7C3] =	sst s18;
	s18 =	smulhi.u32 $0x51EB851F, s14;
	s14 =	sshra.s32 s14, $0x1F  }
0x75: {  	[smem:$0x7D8] =	sst s11;
	s20 =	sadd.s32 s8, s21;
	(v2sf) =	vpush v5, $0xE;
	s14 =	smul.u32 $0x51EB851F, s14  }
0x76: {  	[smem:$0x7D9] =	sst s20;
	(v2sf) =	vpush v5, $0xF  }
0x77: {  	s21 =	sadd.s32 s17, s22;
	[smem:$0x7C6] =	sst s14;
	s14 =	spop (v2sf)  }
0x78: {  	(v2sf) =	vpush v5, $0x9;
	[smem:$0x7C5] =	sst s18;
	s18 =	smulhi.u32 $0x51EB851F, s14;
	s14 =	sshra.s32 s14, $0x1F  }
0x79: {  	[smem:$0x7DA] =	sst s21;
	s8 =	sadd.s32 s15, s23;
	(v2sf) =	vpush v5, $0x8;
	s14 =	smul.u32 $0x51EB851F, s14  }
0x7a: {  	[smem:$0x7DB] =	sst s8  }
0x7b: {  	[smem:$0x7C8] =	sst s14;
	s14 =	spop (v2sf)  }
0x7c: {  	s21 =	sadd.s32 s29, s25;
	[smem:$0x7C7] =	sst s18;
	s18 =	smulhi.u32 $0x51EB851F, s14  }
0x7d: {  	[smem:$0x7DE] =	sst s21  }
0x7e: {  	(v2sf) =	vpush v5, $0xA;
	[smem:$0x7C9] =	sst s18  }
0x7f: {  	s18 =	sld [smem:$0x7A4]  }
0x80: {  	s0 =	smul.u32 $0x51EB851F, s0;
	s29 =	sld [smem:$0x7A6]  }
0x81: {  	s1 =	smul.u32 $0x51EB851F, s1;
	s7 =	sld [smem:$0x7A8];
	s14 =	sshra.s32 s14, $0x1F  }
0x82: {  	s3 =	sadd.s32 s3, s18;
	s18 =	smul.u32 $0x51EB851F, s14;
	s14 =	spop (v2sf)  }
0x83: {  	[smem:$0x7D6] =	sst s3;
	s19 =	smulhi.u32 $0x51EB851F, s14;
	s3 =	sshra.s32 s14, $0x1F  }
0x84: {  	s14 =	spop (v2sf);
	s3 =	smul.u32 $0x51EB851F, s3  }
0x85: {  	s1 =	sadd.s32 s1, s7;
	s20 =	smulhi.u32 $0x51EB851F, s14;
	s22 =	spop (v2sf)  }
0x86: {  	[smem:$0x7E2] =	sst s1;
	s11 =	smulhi.u32 $0x51EB851F, s22  }
0x87: {  	s15 =	spop (v2sf);
	[smem:$0x7CA] =	sst s3;
	s3 =	sshra.s32 s14, $0x1F  }
0x88: {  	s14 =	sadd.s32 s26, s24;
	s24 =	spop (v2sf);
	s26 =	sld [smem:$0x7A5]  }
0x89: {  	s17 =	smul.u32 $0x51EB851F, s3;
	[smem:$0x7CB] =	sst s11  }
0x8a: {  	s3 =	sshra.s32 s22, $0x1F;
	[smem:$0x7DD] =	sst s14;
	s22 =	smulhi.u32 $0x51EB851F, s15  }
0x8b: {  	s14 =	sadd.s32 s12, s31;
	s25 =	smulhi.u32 $0x51EB851F, s24;
	s12 =	sld [smem:$0x7A9]  }
0x8c: {  	[smem:$0x7CD] =	sst s22  }
0x8d: {  	s8 =	sadd.s32 s0, s28;
	s28 =	spop (v2sf);
	[smem:$0x7CF] =	sst s25  }
0x8e: {  	s0 =	sshra.s32 s24, $0x1F;
	s3 =	smul.u32 $0x51EB851F, s3;
	s22 =	sld [smem:$0x7AB]  }
0x8f: {  	s0 =	smul.u32 $0x51EB851F, s0;
	s25 =	sld [smem:$0x7AD]  }
0x90: {  	(v2sf) =	vpush v5, $0xB;
	s31 =	smulhi.u32 $0x51EB851F, s28;
	[smem:$0x7CC] =	sst s3  }
0x91: {  	[smem:$0x7D0] =	sst s0  }
0x92: {  	s3 =	sshra.s32 s15, $0x1F;
	[smem:$0x7D1] =	sst s31  }
0x93: {  	s0 =	sshra.s32 s28, $0x1F;
	s1 =	sadd.s32 s6, s12;
	s28 =	sld [smem:$0x7AF]  }
0x94: {  	s23 =	smul.u32 $0x51EB851F, s3;
	s3 =	sadd.s32 s4, s26;
	s4 =	sld [smem:$0x7A7]  }
0x95: {  	[smem:$0x7E3] =	sst s1  }
0x96: {  	(v2sf) =	vpush v5, $0x0;
	s26 =	sld [smem:$0x7AE]  }
0x97: {  	[smem:$0x7DF] =	sst s3  }
0x98: {  	s3 =	sadd.s32 s16, s29;
	s16 =	sld [smem:$0x7AA]  }
0x99: {  	s29 =	sld [smem:$0x7B0]  }
0x9a: {  	s0 =	smul.u32 $0x51EB851F, s0;
	[smem:$0x7CE] =	sst s23  }
0x9b: {  	[smem:$0x7E0] =	sst s3  }
0x9c: {  	(v2sf) =	vpush v5, $0x1;
	[smem:$0x7D2] =	sst s0  }
0x9d: {  	s23 =	sld [smem:$0x7AC]  }
0x9e: {  	s2 =	smul.u32 $0x51EB851F, s2;
	(v2sf) =	vpush v5, $0x2;
	s3 =	sadd.s32 s5, s4;
	s4 =	sld [smem:$0x7B2]  }
0x9f: {  	s5 =	spop (v2sf);
	[smem:$0x7E1] =	sst s3  }
0xa0: {  	(v2sf) =	vpush v5, $0x3;
	s11 =	smulhi.u32 $0x51EB851F, s5;
	s3 =	sld [smem:$0x7B1]  }
0xa1: {  	s0 =	sshra.s32 s5, $0x1F;
	s1 =	sadd.s32 s2, s16;
	s5 =	sld [smem:$0x7B3]  }
0xa2: {  	[smem:$0x7DC] =	sst s1  }
0xa3: {  	s1 =	sadd.s32 s23, s22;
	s22 =	sld [smem:$0x7B6]  }
0xa4: {  	s23 =	sld [smem:$0x7B7]  }
0xa5: {  	(v2sf) =	vpush v5, $0x4;
	s15 =	spop (v2sf);
	[smem:$0x7D3] =	sst s11  }
0xa6: {  	s0 =	smul.u32 $0x51EB851F, s0;
	[smem:$0x7E4] =	sst s1  }
0xa7: {  	s21 =	smulhi.u32 $0x51EB851F, s15;
	s1 =	sadd.s32 s26, s25;
	s26 =	sld [smem:$0x7B9]  }
0xa8: {  	[smem:$0x7D4] =	sst s0  }
0xa9: {  	[smem:$0x7D5] =	sst s21  }
0xaa: {  	[smem:$0x7E5] =	sst s1  }
0xab: {  	s24 =	spop (v2sf);
	s0 =	sshra.s32 s15, $0x1F;
	s15 =	sld [smem:$0x7B4]  }
0xac: {  	s12 =	smulhi.u32 $0x51EB851F, s24;
	s21 =	sld [smem:$0x7B5]  }
0xad: {  	s1 =	sadd.s32 s29, s28;
	s31 =	spop (v2sf);
	s28 =	sld [smem:$0x7BA]  }
0xae: {  	(v2sf) =	vpush v5, $0x5;
	s29 =	sld [smem:$0x7BB];
	s11 =	smul.u32 $0x51EB851F, s0;
	s0 =	sshra.s32 s24, $0x1F  }
0xaf: {  	(v2sf) =	vpush v5, $0x6;
	[smem:$0x7E6] =	sst s1;
	s1 =	sadd.s32 s4, s3;
	s16 =	spop (v2sf)  }
0xb0: {  	s24 =	sld [smem:$0x7B8];
	s6 =	smul.u32 $0x51EB851F, s0;
	s0 =	sshra.s32 s31, $0x1F  }
0xb1: {  	[smem:$0x7E7] =	sst s1;
	s1 =	sadd.s32 s15, s5;
	s4 =	smul.u32 $0x51EB851F, s0  }
0xb2: {  	s5 =	smulhi.u32 $0x51EB851F, s16;
	s0 =	sshra.s32 s16, $0x1F;
	s16 =	sld [smem:$0x7BC]  }
0xb3: {  	[smem:$0x7E8] =	sst s1  }
0xb4: {  	s25 =	spop (v2sf);
	s1 =	sadd.s32 s22, s21;
	s21 =	sld [smem:$0x7BD]  }
0xb5: {  	s3 =	smulhi.u32 $0x51EB851F, s25;
	s22 =	sld [smem:$0x7BE]  }
0xb6: {  	s2 =	smul.u32 $0x51EB851F, s0;
	s0 =	sshra.s32 s25, $0x1F;
	s25 =	sld [smem:$0x7C0]  }
0xb7: {  	[smem:$0x7E9] =	sst s1  }
0xb8: {  	v6 =	vld [tilespmem:$0x30];
	s6 =	sadd.s32 s6, s12;
	s1 =	sadd.s32 s24, s23;
	s24 =	sld [smem:$0x7BF]  }
0xb9: {  	[smem:$0x7FB] =	sst s6  }
0xba: {  	s7 =	smulhi.u32 $0x51EB851F, s31;
	[smem:$0x7EB] =	sst s1  }
0xbb: {  	(v2sf) =	vpush v5, $0x7;
	s1 =	sadd.s32 s28, s26;
	s26 =	sld [smem:$0x7C1]  }
0xbc: {  	s4 =	sadd.s32 s4, s7;
	s28 =	sld [smem:$0x7C2]  }
0xbd: {  	(v2sf) =	vpush v6, $0xD;
	s31 =	spop (v2sf);
	[smem:$0x7FC] =	sst s4  }
0xbe: {  	s23 =	spop (v2sf);
	s2 =	sadd.s32 s2, s5;
	[smem:$0x7ED] =	sst s1  }
0xbf: {  	s1 =	sadd.s32 s10, s29;
	s15 =	sadd.s32 s30, s22;
	s22 =	sld [smem:$0x7C3]  }
0xc0: {  	(v2sf) =	vpush v6, $0xC;
	s29 =	smulhi.u32 $0x51EB851F, s23;
	s30 =	sshra.s32 s23, $0x1F;
	s23 =	sld [smem:$0x7C4]  }
0xc1: {  	[smem:$0x7FD] =	sst s2  }
0xc2: {  	[smem:$0x7EC] =	sst s1  }
0xc3: {  	s1 =	sadd.s32 s21, s16;
	[smem:$0x7EF] =	sst s15  }
0xc4: {  	s10 =	sshra.s32 s31, $0x1F;
	[smem:$0x7EE] =	sst s1;
	s1 =	smulhi.u32 $0x51EB851F, s31  }
0xc5: {  	s31 =	smul.u32 $0x51EB851F, s10;
	s10 =	sadd.s32 s25, s24;
	s24 =	sld [smem:$0x7C5]  }
0xc6: {  	(v2sf) =	vpush v6, $0xE;
	s15 =	sadd.s32 s28, s26;
	s25 =	sld [smem:$0x7C6]  }
0xc7: {  	[smem:$0x7F0] =	sst s15  }
0xc8: {  	s15 =	sadd.s32 s23, s22;
	s22 =	sld [smem:$0x7C7]  }
0xc9: {  	s23 =	sld [smem:$0x7C8]  }
0xca: {  	s21 =	spop (v2sf);
	[smem:$0x7F1] =	sst s15  }
0xcb: {  	s28 =	smulhi.u32 $0x51EB851F, s21;
	s15 =	sadd.s32 s25, s24;
	s24 =	sld [smem:$0x7C9]  }
0xcc: {  	s26 =	sshra.s32 s21, $0x1F;
	s21 =	spop (v2sf);
	[smem:$0x7F2] =	sst s15  }
0xcd: {  	s25 =	smul.u32 $0x51EB851F, s26;
	s15 =	sadd.s32 s23, s22;
	s26 =	sshra.s32 s21, $0x1F  }
0xce: {  	[smem:$0x7EA] =	sst s15;
	s23 =	smul.u32 $0x51EB851F, s26  }
0xcf: {  	s16 =	spop (v2sf);
	s15 =	sadd.s32 s18, s24;
	s18 =	sld [smem:$0x7CA]  }
0xd0: {  	s24 =	smulhi.u32 $0x51EB851F, s16;
	s26 =	sshra.s32 s16, $0x1F;
	s16 =	sld [smem:$0x7CB]  }
0xd1: {  	[smem:$0x7F3] =	sst s15  }
0xd2: {  	s15 =	sadd.s32 s18, s19;
	s19 =	sadd.s32 s17, s20;
	s17 =	sld [smem:$0x7CC]  }
0xd3: {  	(v2sf) =	vpush v6, $0xF;
	s22 =	smulhi.u32 $0x51EB851F, s21;
	s18 =	sld [smem:$0x7CD]  }
0xd4: {  	s21 =	smul.u32 $0x51EB851F, s26;
	[smem:$0x7F4] =	sst s15  }
0xd5: {  	s20 =	spop (v2sf);
	[smem:$0x7F5] =	sst s19  }
0xd6: {  	(v2sf) =	vpush v6, $0x9;
	s19 =	smulhi.u32 $0x51EB851F, s20;
	s26 =	sshra.s32 s20, $0x1F;
	s20 =	sld [smem:$0x7CE]  }
0xd7: {  	s15 =	sadd.s32 s17, s16;
	s17 =	sld [smem:$0x7CF]  }
0xd8: {  	[smem:$0x7F6] =	sst s15  }
0xd9: {  	s15 =	sadd.s32 s20, s18;
	s18 =	sld [smem:$0x7D0]  }
0xda: {  	(v2sf) =	vpush v6, $0x8;
	s0 =	smul.u32 $0x51EB851F, s0;
	s16 =	sld [smem:$0x7D1]  }
0xdb: {  	[smem:$0x7F7] =	sst s15  }
0xdc: {  	(v2sf) =	vpush v6, $0xA;
	s0 =	sadd.s32 s0, s3;
	s15 =	sadd.s32 s18, s17;
	s17 =	sld [smem:$0x7D2]  }
0xdd: {  	[dreg:$0x1f] =	wrdreg s0  }
0xde: {  	(v2sf) =	vpush v6, $0xB;
	[smem:$0x7F8] =	sst s15  }
0xdf: {  	s15 =	sadd.s32 s17, s16;
	s17 =	sld [smem:$0x7D4]  }
0xe0: {  	(v2sf) =	vpush v6, $0x0;
	[smem:$0x7F9] =	sst s15  }
0xe1: {  	s30 =	smul.u32 $0x51EB851F, s30;
	s15 =	sld [smem:$0x7D3]  }
0xe2: {  	(v2sf) =	vpush v6, $0x1;
	s20 =	smul.u32 $0x51EB851F, s26;
	s26 =	spop (v2sf)  }
0xe3: {  	s29 =	sadd.s32 s30, s29;
	s18 =	smulhi.u32 $0x51EB851F, s26;
	s26 =	sshra.s32 s26, $0x1F  }
0xe4: {  	[dreg:$0x1d] =	wrdreg s29;
	s16 =	smul.u32 $0x51EB851F, s26;
	s15 =	sadd.s32 s17, s15  }
0xe5: {  	s1 =	sadd.s32 s31, s1;
	(v2sf) =	vpush v6, $0x2;
	s26 =	spop (v2sf);
	[smem:$0x7FA] =	sst s15  }
0xe6: {  	s17 =	smulhi.u32 $0x51EB851F, s26;
	s15 =	sshra.s32 s26, $0x1F;
	s26 =	sld [smem:$0x7D5]  }
0xe7: {  	[dreg:$0x1e] =	wrdreg s1;
	(v2sf) =	vpush v6, $0x3  }
0xe8: {  	s16 =	sadd.s32 s16, s18;
	s18 =	sld [smem:$0x7DB]  }
0xe9: {  	s26 =	sadd.s32 s11, s26;
	s11 =	smul.u32 $0x51EB851F, s15;
	s15 =	spop (v2sf)  }
0xea: {  	[dreg:$0x1b] =	wrdreg s16;
	s6 =	smulhi.u32 $0x51EB851F, s15;
	s15 =	sshra.s32 s15, $0x1F  }
0xeb: {  	s4 =	smul.u32 $0x51EB851F, s15;
	s15 =	spop (v2sf)  }
0xec: {  	s16 =	sld [smem:$0x7D9];
	s2 =	smulhi.u32 $0x51EB851F, s15;
	s12 =	sshra.s32 s15, $0x1F  }
0xed: {  	s29 =	sadd.s32 s11, s17;
	s15 =	spop (v2sf);
	s0 =	smul.u32 $0x51EB851F, s12  }
0xee: {  	s11 =	sld [smem:$0x7D6];
	s1 =	smulhi.u32 $0x51EB851F, s15;
	s3 =	sshra.s32 s15, $0x1F  }
0xef: {  	s30 =	spop (v2sf);
	s3 =	smul.u32 $0x51EB851F, s3  }
0xf0: {  	s17 =	sld [smem:$0x7DA];
	s4 =	sadd.s32 s4, s6;
	s7 =	smulhi.u32 $0x51EB851F, s30  }
0xf1: {  	s5 =	sshra.s32 s30, $0x1F;
	s30 =	sadd.s32 s23, s22;
	s31 =	spop (v2sf)  }
0xf2: {  	s22 =	sadd.s32 s21, s24;
	[dreg:$0x17] =	wrdreg s4;
	s5 =	smul.u32 $0x51EB851F, s5  }
0xf3: {  	[dreg:$0x1a] =	wrdreg s22;
	s15 =	smulhi.u32 $0x51EB851F, s31;
	s12 =	sshra.s32 s31, $0x1F  }
0xf4: {  	s25 =	sadd.s32 s25, s28;
	s23 =	spop (v2sf);
	s12 =	smul.u32 $0x51EB851F, s12  }
0xf5: {  	s31 =	sadd.s32 s20, s19;
	s0 =	sadd.s32 s0, s2;
	s24 =	smulhi.u32 $0x51EB851F, s23  }
0xf6: {  	s22 =	spop (v2sf);
	[dreg:$0x18] =	wrdreg s0;
	s2 =	sadd.s32 s3, s1  }
0xf7: {  	s20 =	sshra.s32 s23, $0x1F;
	s23 =	smulhi.u32 $0x51EB851F, s22;
	[dreg:$0x16] =	wrdreg s2  }
0xf8: {  	s28 =	sshra.s32 s22, $0x1F;
	s6 =	sadd.s32 s5, s7;
	s22 =	sld [smem:$0x7DD]  }
0xf9: {  	s19 =	sshrl.u32 s8, $0x1F;
	[dreg:$0x1c] =	wrdreg s6  }
0xfa: {  	s21 =	smul.u32 $0x51EB851F, s20;
	s7 =	sadd.s32 s12, s15;
	s12 =	sld [smem:$0x7D7]  }
0xfb: {  	s5 =	sshrl.u32 s11, $0x1F;
	s3 =	smul.u32 $0x51EB851F, s28;
	s15 =	sld [smem:$0x7D8]  }
0xfc: {  	s2 =	sshra.s32 s11, $0x6;
	s6 =	sshra.s32 s16, $0x6;
	[dreg:$0x19] =	wrdreg s7  }
0xfd: {  	s24 =	sadd.s32 s21, s24;
	s21 =	sld [smem:$0x7DC];
	s28 =	sadd.s32 s3, s23  }
0xfe: {  	s3 =	sshra.s32 s17, $0x6;
	s4 =	sshra.s32 s22, $0x6;
	s23 =	sshra.s32 s8, $0x6  }
0xff: {  	s7 =	sshrl.u32 s12, $0x1F;
	s0 =	sshra.s32 s12, $0x6;
	s11 =	sshrl.u32 s15, $0x1F  }
0x100: {  	s1 =	sshra.s32 s15, $0x6;
	s12 =	sshrl.u32 s16, $0x1F;
	s20 =	sshra.s32 s21, $0x1F  }
0x101: {  	s15 =	sshrl.u32 s17, $0x1F;
	s16 =	sshrl.u32 s18, $0x1F;
	s17 =	sshra.s32 s18, $0x6;
	v8 =	vmov s20  }
0x102: {  	vm10 =	vcmask $0x704;
	s18 =	sshrl.u32 s22, $0x1F;
	s22 =	sld [smem:$0x7DE];
	s20 =	sshra.s32 s8, $0x1F;
	v8 =	vsel vm3, s23, v8  }
0x103: {  	v7 =	vmov s19;
	v8 =	vsel vm10, s20, v8;
	s20 =	sld [smem:$0x7DF]  }
0x104: {  	v7 =	vnsel vm3, $0x0, v7;
	v9 =	vmov s7;
	s23 =	sshrl.u32 s14, $0x1F  }
0x105: {  	v9 =	vsel vm0, s5, v9;
	s8 =	sshrl.u32 s22, $0x1F;
	s19 =	sshra.s32 s22, $0x6;
	v7 =	vsel vm0, s23, v7;
	s23 =	sshra.s32 s14, $0x6  }
0x106: {  	v9 =	vsel vm1, s11, v9;
	s11 =	sshra.s32 s14, $0x1F;
	s14 =	sld [smem:$0x7E0];
	v8 =	vsel vm0, s23, v8;
	s22 =	sshrl.u32 s20, $0x1F  }
0x107: {  	v8 =	vsel vm11, s11, v8;
	s23 =	sshra.s32 s20, $0x6;
	s5 =	sshra.s32 s20, $0x1F;
	s20 =	sld [smem:$0x7E1]  }
0x108: {  	v53 =	vmov s16;
	v58 =	vmov s17;
	v8 =	vsel vm1, s23, v8  }
0x109: {  	s16 =	sld [smem:$0x7E2];
	v51 =	vsel vm2, s12, v9;
	s12 =	sshra.s32 s14, $0x6;
	v10 =	vsel vm1, s22, v7;
	s22 =	sshrl.u32 s14, $0x1F;
	v8 =	vsel vm12, s5, v8  }
0x10a: {  	s17 =	sld [smem:$0x7E5];
	s7 =	sshra.s32 s14, $0x1F;
	v52 =	vsel vm2, s22, v10;
	v10 =	vsel vm0, s15, v53;
	s22 =	sshrl.u32 s20, $0x1F;
	v12 =	vsel vm2, s12, v8  }
0x10b: {  	s14 =	sshra.s32 s20, $0x6;
	s11 =	sshra.s32 s20, $0x1F;
	s20 =	sld [smem:$0x7E3];
	v10 =	vsel vm1, s18, v10;
	v56 =	vsel vm13, s7, v12  }
0x10c: {  	s23 =	sshrl.u32 s16, $0x1F;
	s18 =	sshra.s32 s21, $0x6;
	v9 =	vsel vm4, s22, v52;
	v54 =	vsel vm2, s8, v10;
	s7 =	sld [smem:$0x7E4];
	v10 =	vsel vm4, s14, v56  }
0x10d: {  	v9 =	vsel vm5, s23, v9;
	s23 =	sshrl.u32 s21, $0x1F;
	s21 =	sshrl.u32 s17, $0x1F;
	v10 =	vsel vm14, s11, v10;
	s11 =	sld [smem:$0x7E8]  }
0x10e: {  	s22 =	sshrl.u32 s20, $0x1F;
	v13 =	vmov s21;
	s21 =	sld [smem:$0x7EB]  }
0x10f: {  	s15 =	sshra.s32 s16, $0x6;
	s5 =	sshra.s32 s17, $0x6;
	v11 =	vsel vm6, s22, v9;
	s22 =	sld [smem:$0x7E6]  }
0x110: {  	s12 =	sshra.s32 s16, $0x1F;
	s16 =	sshra.s32 s20, $0x6;
	v55 =	vsel vm7, s23, v11;
	s23 =	sld [smem:$0x7E7]  }
0x111: {  	v57 =	vmov s0;
	s8 =	sshra.s32 s20, $0x1F;
	s20 =	sshrl.u32 s7, $0x1F;
	v10 =	vsel vm5, s15, v10;
	s15 =	sld [smem:$0x7E9]  }
0x112: {  	v12 =	vsel vm0, s3, v58;
	v11 =	vsel vm0, s2, v57;
	s3 =	sshrl.u32 s22, $0x1F;
	s2 =	sshra.s32 s22, $0x6;
	s22 =	sld [smem:$0x7EA]  }
0x113: {  	v11 =	vsel vm1, s1, v11;
	s17 =	sshrl.u32 s23, $0x1F;
	s1 =	sshra.s32 s23, $0x6;
	s23 =	sld [smem:$0x7EC]  }
0x114: {  	v12 =	vsel vm1, s4, v12;
	v15 =	vsel vm0, s20, v13;
	s20 =	sld [smem:$0x7EE]  }
0x115: {  	v12 =	vsel vm2, s19, v12;
	v10 =	vsel vm15, s12, v10;
	s14 =	sshra.s32 s21, $0x6;
	v11 =	vsel vm2, s6, v11;
	s6 =	sshrl.u32 s15, $0x1F;
	s19 =	sshra.s32 s22, $0x1F  }
0x116: {  	vm9 =	vcmask $0x3734;
	v10 =	vsel vm6, s16, v10;
	s12 =	sshra.s32 s15, $0x6;
	s15 =	sshrl.u32 s21, $0x1F;
	v14 =	vmov s19;
	s19 =	sshra.s32 s23, $0x6  }
0x117: {  	v10 =	vsel vm9, s8, v10;
	s8 =	sshrl.u32 s23, $0x1F;
	s21 =	sshra.s32 s23, $0x1F;
	s23 =	sld [smem:$0x7ED]  }
0x118: {  	s0 =	sshra.s32 s7, $0x6;
	v14 =	vsel vm3, s19, v14;
	s19 =	sld [smem:$0x7EF]  }
0x119: {  	s4 =	sshrl.u32 s11, $0x1F;
	s7 =	sshra.s32 s11, $0x6;
	v14 =	vsel vm10, s21, v14;
	s21 =	sshra.s32 s20, $0x6  }
0x11a: {  	s16 =	sshrl.u32 s23, $0x1F;
	s11 =	sshra.s32 s23, $0x6;
	v14 =	vsel vm0, s21, v14;
	s23 =	sshra.s32 s20, $0x1F  }
0x11b: {  	s21 =	sshra.s32 s19, $0x6;
	v14 =	vsel vm11, s23, v14  }
0x11c: {  	s23 =	sshra.s32 s19, $0x1F;
	v14 =	vsel vm1, s21, v14  }
0x11d: {  	v61 =	vmov s8;
	v14 =	vsel vm12, s23, v14;
	s23 =	sld [smem:$0x7F1]  }
0x11e: {  	v60 =	vsel vm1, s3, v15;
	s3 =	sshrl.u32 s20, $0x1F;
	v15 =	vnsel vm3, $0x0, v61  }
0x11f: {  	v59 =	vsel vm7, s18, v10;
	v10 =	vsel vm2, s17, v60;
	s17 =	sshrl.u32 s10, $0x1F;
	v15 =	vsel vm0, s3, v15;
	s18 =	sshrl.u32 s19, $0x1F;
	s21 =	sld [smem:$0x7F0]  }
0x120: {  	s20 =	sshra.s32 s10, $0x6;
	s3 =	sshra.s32 s10, $0x1F;
	v15 =	vsel vm1, s18, v15;
	s18 =	sshrl.u32 s23, $0x1F  }
0x121: {  	v15 =	vsel vm2, s17, v15;
	v14 =	vsel vm2, s20, v14;
	s19 =	sshra.s32 s23, $0x6;
	s17 =	sshra.s32 s23, $0x1F;
	s23 =	sld [smem:$0x7F2]  }
0x122: {  	v16 =	vmov s6;
	s6 =	sshrl.u32 s21, $0x1F;
	s10 =	sshra.s32 s21, $0x6;
	v14 =	vsel vm13, s3, v14  }
0x123: {  	s8 =	sshra.s32 s21, $0x1F;
	v15 =	vsel vm4, s6, v15;
	v14 =	vsel vm4, s10, v14  }
0x124: {  	v16 =	vsel vm0, s4, v16;
	v15 =	vsel vm5, s18, v15;
	v18 =	vsel vm14, s8, v14;
	s4 =	sshrl.u32 s23, $0x1F  }
0x125: {  	s6 =	smov.u32 s22;
	s22 =	sshrl.u32 s22, $0x1F;
	v30 =	vsel vm5, s19, v18;
	s19 =	sld [smem:$0x7F6];
	v17 =	vsel vm6, s4, v15  }
0x126: {  	v63 =	vsel vm7, s22, v17;
	s22 =	sld [smem:$0x7F7]  }
0x127: {  	v16 =	vsel vm1, s15, v16;
	s18 =	sld [smem:$0x7F3]  }
0x128: {  	v62 =	vsel vm2, s16, v16;
	s20 =	sshra.s32 s23, $0x6;
	s16 =	sshrl.u32 s19, $0x1F;
	s4 =	sshra.s32 s19, $0x6  }
0x129: {  	(v2sf) =	vpush v6, $0x4;
	v31 =	vmov s5;
	v7 =	vcombine.low v54, v51;
	s19 =	sshrl.u32 s22, $0x1F;
	s5 =	sshra.s32 s22, $0x6;
	s22 =	sld [smem:$0x7F8]  }
0x12a: {  	(v2sf) =	vpush v6, $0x5;
	s21 =	sshra.s32 s23, $0x1F;
	s23 =	sshra.s32 s6, $0x6;
	s6 =	sld [smem:$0x7F4];
	v16 =	vsel vm15, s17, v30  }
0x12b: {  	v7 =	vperm.xlane v7, v0;
	v11 =	vcombine.low v12, v11;
	s10 =	sshrl.u32 s18, $0x1F;
	v16 =	vsel vm6, s20, v16;
	s20 =	sld [smem:$0x7F9]  }
0x12c: {  	v8 =	vperm.xlane v55, v2;
	v32 =	vmov s12;
	v38 =	vperm.xlane v59, v2;
	s17 =	sshrl.u32 s22, $0x1F;
	s12 =	sshra.s32 s22, $0x6;
	s22 =	sld [smem:$0x7FA]  }
0x12d: {  	v11 =	vperm.xlane v11, v0;
	s3 =	sshra.s32 s18, $0x6;
	v17 =	vsel vm0, s0, v31;
	v16 =	vsel vm9, s21, v16;
	s21 =	sshra.s32 s26, $0x6;
	s18 =	sshrl.u32 s6, $0x1F  }
0x12e: {  	(v2sf) =	vpush v6, $0x6;
	v18 =	vsel vm0, s7, v32;
	s8 =	sshra.s32 s6, $0x6;
	s6 =	sld [smem:$0x7F5];
	v17 =	vsel vm1, s2, v17;
	s7 =	sshrl.u32 s20, $0x1F  }
0x12f: {  	v7 =	vsel vm8, v8, v7;
	v40 =	vsel vm8, v38, v11;
	s0 =	sshra.s32 s20, $0x6;
	v17 =	vsel vm2, s1, v17;
	s1 =	sshra.s32 s26, $0x1F;
	s20 =	sshrl.u32 s22, $0x1F  }
0x130: {  	v7 =	vadd.s32 v7, v40;
	s2 =	sshra.s32 s22, $0x6;
	s22 =	sshrl.u32 s26, $0x1F;
	s26 =	sshra.s32 s25, $0x1F  }
0x131: {  	v7 =	vmul.u32 $0xC8, v7;
	v21 =	vmov s26;
	s26 =	sld [smem:$0x7FC]  }
0x132: {  	(v2sf) =	vpush v6, $0x7;
	v10 =	vcombine.low v62, v10  }
0x133: {  	v3 =	vsub.s32 v3, v7;
	v16 =	vsel vm7, s23, v16;
	s23 =	sld [smem:$0x7FB];
	v19 =	vmov s18  }
0x134: {  	v48 =	vadd.s32 $0xC8, v3;
	v19 =	vsel vm0, s10, v19;
	s15 =	sshrl.u32 s6, $0x1F;
	v20 =	vmov s22;
	s22 =	sshrl.u32 s26, $0x1F  }
0x135: {  	v18 =	vsel vm1, s14, v18;
	v19 =	vsel vm1, s15, v19;
	v21 =	vsel vm3, s21, v21;
	s10 =	sshra.s32 s26, $0x6;
	s21 =	sshra.s32 s26, $0x1F;
	s26 =	sld [smem:$0x7FD]  }
0x136: {  	v18 =	vsel vm2, s11, v18;
	s6 =	sshra.s32 s6, $0x6;
	s11 =	sshrl.u32 s23, $0x1F;
	v19 =	vsel vm2, s16, v19;
	s16 =	rddreg [dreg:$0x1f];
	v20 =	vnsel vm3, $0x0, v20  }
0x137: {  	s14 =	sshra.s32 s23, $0x6;
	s18 =	sshra.s32 s23, $0x1F;
	v22 =	vmov s17;
	s17 =	sshra.s32 s16, $0x6;
	v20 =	vsel vm0, s11, v20;
	v21 =	vsel vm10, s1, v21  }
0x138: {  	v24 =	vmov s12;
	s12 =	sshra.s32 s25, $0x6;
	v21 =	vsel vm0, s14, v21;
	v20 =	vsel vm1, s22, v20;
	s22 =	rddreg [dreg:$0x1d];
	s23 =	sshrl.u32 s26, $0x1F  }
0x139: {  	v10 =	vperm.xlane v10, v0;
	v14 =	vperm.xlane v63, v2;
	v21 =	vsel vm11, s18, v21;
	s1 =	sshra.s32 s26, $0x6;
	s11 =	sshra.s32 s26, $0x1F;
	s26 =	spop (v2sf)  }
0x13a: {  	v35 =	vmov s8;
	v22 =	vsel vm0, s19, v22;
	s18 =	sshra.s32 s16, $0x1F;
	v21 =	vsel vm1, s10, v21;
	s8 =	sshra.s32 s22, $0x6;
	s14 =	smulhi.u32 $0x51EB851F, s26  }
0x13b: {  	v22 =	vsel vm1, s7, v22;
	v23 =	vsel vm12, s21, v21;
	s15 =	sshra.s32 s26, $0x1F;
	s26 =	sshrl.u32 s16, $0x1F;
	v20 =	vsel vm2, s23, v20;
	s10 =	spop (v2sf)  }
0x13c: {  	v34 =	vsel vm2, s1, v23;
	v23 =	vsel vm0, s3, v35;
	s3 =	sshra.s32 s22, $0x1F;
	s15 =	smul.u32 $0x51EB851F, s15;
	v20 =	vsel vm4, s26, v20;
	s26 =	rddreg [dreg:$0x1e]  }
0x13d: {  	v16 =	vperm.xlane v16, v2;
	v24 =	vsel vm0, s5, v24;
	v33 =	vsel vm2, s20, v22;
	s21 =	smulhi.u32 $0x51EB851F, s10;
	s20 =	sshra.s32 s10, $0x1F;
	s10 =	spop (v2sf)  }
0x13e: {  	v44 =	vcombine.low v18, v17;
	v24 =	vsel vm1, s0, v24;
	v22 =	vsel vm13, s11, v34;
	s11 =	rddreg [dreg:$0x17];
	s23 =	sshrl.u32 s26, $0x1F;
	s19 =	sshra.s32 s26, $0x6  }
0x13f: {  	v10 =	vsel vm8, v14, v10;
	v24 =	vsel vm2, s2, v24;
	v45 =	vcombine.low v33, v19;
	s7 =	sshra.s32 s26, $0x1F;
	s26 =	sshrl.u32 s22, $0x1F;
	s1 =	smul.u32 $0x51EB851F, s20  }
0x140: {  	v23 =	vsel vm1, s6, v23;
	v22 =	vsel vm4, s17, v22;
	s22 =	sshrl.u32 s30, $0x1F;
	s20 =	rddreg [dreg:$0x1b];
	v20 =	vsel vm5, s23, v20;
	s23 =	sshrl.u32 s25, $0x1F  }
0x141: {  	v23 =	vsel vm2, s4, v23;
	v22 =	vsel vm14, s18, v22;
	s18 =	rddreg [dreg:$0x1a];
	s25 =	sshrl.u32 s31, $0x1F;
	v20 =	vsel vm6, s26, v20;
	s26 =	spop (v2sf)  }
0x142: {  	v11 =	vperm.xlane v44, v0;
	v46 =	vcombine.low v24, v23;
	v20 =	vsel vm7, s23, v20;
	s16 =	smulhi.u32 $0x51EB851F, s26;
	s6 =	sshra.s32 s26, $0x1F;
	s23 =	sshrl.u32 s18, $0x1F  }
0x143: {  	v7 =	vperm.xlane v45, v0;
	s2 =	sadd.s32 s15, s14;
	v22 =	vsel vm5, s19, v22;
	s19 =	rddreg [dreg:$0x1c];
	v25 =	vmov s23;
	s5 =	smul.u32 $0x51EB851F, s6  }
0x144: {  	s14 =	rddreg [dreg:$0x18];
	s26 =	sshrl.u32 s20, $0x1F;
	v22 =	vsel vm15, s7, v22;
	s15 =	sshrl.u32 s19, $0x1F;
	v12 =	vperm.xlane v46, v0;
	v25 =	vsel vm0, s22, v25  }
0x145: {  	v22 =	vsel vm6, s8, v22;
	v26 =	vmov s15;
	s15 =	rddreg [dreg:$0x19];
	s8 =	sshra.s32 s10, $0x1F;
	v25 =	vsel vm1, s25, v25;
	s0 =	sadd.s32 s5, s16  }
0x146: {  	v49 =	vperm.xlane v20, v2;
	s22 =	sshrl.u32 s11, $0x1F;
	v22 =	vsel vm9, s3, v22;
	v25 =	vsel vm2, s26, v25;
	s26 =	smulhi.u32 $0x51EB851F, s10;
	s10 =	sshra.s32 s0, $0x1F  }
0x147: {  	v26 =	vnsel vm3, $0x0, v26;
	s23 =	sshrl.u32 s15, $0x1F;
	s4 =	smul.u32 $0x51EB851F, s8;
	v22 =	vsel vm7, s12, v22;
	s16 =	sshra.s32 s19, $0x6;
	v28 =	vmov s10  }
0x148: {  	s8 =	sshra.s32 s18, $0x6;
	s25 =	sshrl.u32 s24, $0x1F;
	v26 =	vsel vm0, s23, v26;
	v27 =	vmov s22;
	s23 =	sshra.s32 s19, $0x1F;
	v28 =	vsel vm3, s16, v28  }
0x149: {  	s12 =	sshrl.u32 s28, $0x1F;
	v29 =	vmov s8;
	v26 =	vsel vm1, s25, v26;
	s3 =	sadd.s32 s4, s26;
	s26 =	sshra.s32 s15, $0x6;
	v28 =	vsel vm10, s23, v28  }
0x14a: {  	s17 =	sshrl.u32 s29, $0x1F;
	s7 =	sshrl.u32 s14, $0x1F;
	v7 =	vsel vm8, v49, v7;
	v26 =	vsel vm2, s12, v26;
	s12 =	sshra.s32 s15, $0x1F;
	v28 =	vsel vm0, s26, v28  }
0x14b: {  	s22 =	sshrl.u32 s2, $0x1F;
	v27 =	vsel vm0, s17, v27;
	s17 =	sshra.s32 s24, $0x6;
	v50 =	vperm.xlane v22, v2;
	s10 =	rddreg [dreg:$0x16];
	v28 =	vsel vm11, s12, v28  }
0x14c: {  	s1 =	sadd.s32 s1, s21;
	s19 =	sshra.s32 s24, $0x1F;
	v27 =	vsel vm1, s7, v27;
	s21 =	sshrl.u32 s10, $0x1F;
	v26 =	vsel vm4, s22, v26;
	v28 =	vsel vm1, s17, v28  }
0x14d: {  	s25 =	sshrl.u32 s1, $0x1F;
	s16 =	sshra.s32 s30, $0x6;
	s22 =	sshra.s32 s28, $0x6;
	v54 =	vsel vm8, v50, v12;
	v27 =	vsel vm2, s21, v27;
	v36 =	vsel vm12, s19, v28  }
0x14e: {  	v26 =	vsel vm5, s25, v26;
	s7 =	sshrl.u32 s3, $0x1F;
	v29 =	vsel vm0, s16, v29;
	s23 =	sshra.s32 s28, $0x1F;
	v9 =	vsel vm2, s22, v36  }
0x14f: {  	s18 =	sshra.s32 s31, $0x6;
	s24 =	sshra.s32 s2, $0x6;
	s21 =	sshra.s32 s11, $0x6;
	vm10 =	vlt.s32 v3, $0x0;
	v26 =	vsel vm6, s7, v26;
	v9 =	vsel vm13, s23, v9  }
0x150: {  	s2 =	sshra.s32 s2, $0x1F;
	v29 =	vsel vm1, s18, v29;
	v37 =	vmov s21;
	v9 =	vsel vm4, s24, v9  }
0x151: {  	s15 =	sshrl.u32 s0, $0x1F;
	s28 =	sshra.s32 s1, $0x6;
	s26 =	sshra.s32 s29, $0x6;
	v47 =	vcombine.low v27, v25;
	v3 =	vsel vm10, v48, v3;
	v9 =	vsel vm14, s2, v9  }
0x152: {  	s25 =	sshra.s32 s20, $0x6;
	s1 =	sshra.s32 s1, $0x1F;
	s29 =	sshra.s32 s14, $0x6;
	v26 =	vsel vm7, s15, v26;
	v28 =	vsel vm0, s26, v37;
	v9 =	vsel vm5, s28, v9  }
0x153: {  	s30 =	sshra.s32 s10, $0x6;
	s31 =	sshra.s32 s3, $0x6;
	v39 =	vsel vm2, s25, v29;
	v41 =	vsel vm1, s29, v28;
	v42 =	vsel vm15, s1, v9  }
0x154: {  	s4 =	sshra.s32 s3, $0x1F;
	[tilespmem:$0x80] =	vst v3;
	v3 =	vsel vm8, v16, v11;
	v43 =	vsel vm2, s30, v41;
	v8 =	vsel vm6, s31, v42  }
0x155: {  	s0 =	sshra.s32 s0, $0x6;
	v51 =	vperm.xlane v47, v0;
	v53 =	vld.msk [tilespmem:$0x80], $0xff;
	v9 =	vcombine.low v43, v39;
	v8 =	vsel vm9, s4, v8  }
0x156: {  	v52 =	vperm.xlane v26, v2;
	v3 =	vadd.s32 v10, v3;
	v8 =	vsel vm7, s0, v8  }
0x157: {  	v3 =	vmul.u32 $0xC8, v3;
	v9 =	vperm.xlane v9, v0;
	v8 =	vperm.xlane v8, v2  }
0x158: {  	v56 =	vadd.s32 v7, v54;
	v55 =	vsel vm8, v52, v51  }
0x159: {  	v3 =	vsub.s32 v4, v3;
	v4 =	vmul.u32 $0xC8, v56;
	v8 =	vsel vm8, v8, v9  }
0x15a: {  	v58 =	vadd.s32 $0xC8, v3;
	v59 =	vshll.u32 v53, $0x12;
	v57 =	vadd.s32 v55, v8  }
0x15b: {  	vm10 =	vlt.s32 v3, $0x0;
	v9 =	vperm.xlane v59, v1;
	v7 =	vmul.u32 $0xC8, v57  }
0x15c: {  	v3 =	vsel vm10, v58, v3;
	v4 =	vsub.s32 v5, v4  }
0x15d: {  	v61 =	vadd.s32 $0xC8, v4;
	vm10 =	vlt.s32 v4, $0x0;
	v60 =	vsub.s32 v6, v7  }
0x15e: {  	[tilespmem:$0x100] =	vst v3;
	v3 =	vsel vm10, v61, v4;
	v62 =	vadd.s32 $0xC8, v60;
	vm10 =	vlt.s32 v60, $0x0  }
0x15f: {  	[tilespmem:$0x180] =	vst v3;
	v4 =	vsel vm10, v62, v60  }
0x160: {  	s6 =	simm.s32 $0x280;
	s5 =	rddreg [dreg:$0x13];
	s7 =	simm.s32 $0x0;
	[tilespmem:$0x200] =	vst v4  }
0x161: {  	[tilespmem:s6], [sflag:$0x1] =	stream.indirect_vreg.gather [hbm4b:s5+s7], $0x1000, v9, vm8, $0x38;
	[tilespmem:$0x18280] =	vst v63  }
0x162: {  	v3 =	vld.msk [tilespmem:$0x80], $0xff;
	_ =	sdelay $0x4  }
0x163: {  	v3 =	vshll.u32 v3, $0x12  }
0x164: {  	v3 =	vperm.xlane v3, v1;
	_ =	sdelay $0x4  }
0x165: {  	s8 =	rddreg [dreg:$0x14];
	s10 =	simm.s32 $0x8280  }
0x166: {  	[tilespmem:s10], [sflag:$0x1] =	stream.indirect_vreg.gather [hbm4b:s8+s7], $0x1000, v3, vm8, $0x38;
	[tilespmem:$0x18280] =	vst v63  }
0x167: {  	v3 =	vld.msk [tilespmem:$0x88], $0xff;
	_ =	sdelay $0x4  }
0x168: {  	v3 =	vshll.u32 v3, $0x12  }
0x169: {  	v3 =	vperm.xlane v3, v1;
	_ =	sdelay $0x4  }
0x16a: {  	s11 =	simm.s32 $0x10280  }
0x16b: {  	[tilespmem:s11], [sflag:$0x1] =	stream.indirect_vreg.gather [hbm4b:s5+s7], $0x1000, v3, vm8, $0x38;
	[tilespmem:$0x18280] =	vst v63  }
0x16c: {  	_ =	swait.ge [sflag:s9], $0x8000  }
0x16d: {  	s16 =	simm.s32 $0x40000;
	[sflag:s9] =	ssyncset.done $0x0  }
0x16e: {  	s15 =	simm.s32 $0x1000;
	s14 =	rddreg [dreg:$0x5];
	[sflag:s9] =	ssyncadd.s32 $0xFFFF8000  }
0x16f: {  	[hbm4b:s14+s15] =	stream.strided.scatter [tilespmem:s6], [sflag:$0x2], $0x8000, s16, s15, $0x38;
	[tilespmem:$0x18280] =	vst v63  }
0x170: {  	_ =	swait.ge [sflag:s13], $0x8000  }
0x171: {  	[sflag:s13] =	ssyncset.done $0x0  }
0x172: {  	[sflag:s13] =	ssyncadd.s32 $0xFFFF8000  }
0x173: {  	v3 =	vld.msk [tilespmem:$0x88], $0xff;
	_ =	sdelay $0x4  }
0x174: {  	v3 =	vshll.u32 v3, $0x12  }
0x175: {  	v3 =	vperm.xlane v3, v1;
	_ =	sdelay $0x4  }
0x176: {  	s12 =	simm.s32 $0x0  }
0x177: {  	[tilespmem:s6], [sflag:$0x1] =	stream.indirect_vreg.gather [hbm4b:s8+s12], $0x1000, v3, vm8, $0x38;
	[tilespmem:$0x18280] =	vst v63  }
0x178: {  	_ =	swait.ge [sflag:s9], $0x8000  }
0x179: {  	[sflag:s9] =	ssyncset.done $0x0  }
0x17a: {  	s17 =	rddreg [dreg:$0x6];
	[sflag:s9] =	ssyncadd.s32 $0xFFFF8000  }
0x17b: {  	[hbm4b:s17+s15] =	stream.strided.scatter [tilespmem:s10], [sflag:$0x2], $0x8000, s16, s15, $0x38;
	[tilespmem:$0x18280] =	vst v63  }
0x17c: {  	_ =	swait.ge [sflag:s13], $0x8000  }
0x17d: {  	[sflag:s13] =	ssyncset.done $0x0  }
0x17e: {  	[sflag:s13] =	ssyncadd.s32 $0xFFFF8000  }
0x17f: {  	v3 =	vld.msk [tilespmem:$0x100], $0xff;
	_ =	sdelay $0x4  }
0x180: {  	v3 =	vshll.u32 v3, $0x12  }
0x181: {  	v3 =	vperm.xlane v3, v1;
	_ =	sdelay $0x5  }
0x182: {  	[tilespmem:s10], [sflag:$0x1] =	stream.indirect_vreg.gather [hbm4b:s5+s12], $0x1000, v3, vm8, $0x38;
	[tilespmem:$0x18280] =	vst v63  }
0x183: {  	_ =	swait.ge [sflag:s9], $0x8000  }
0x184: {  	[sflag:s9] =	ssyncset.done $0x0  }
0x185: {  	s18 =	rddreg [dreg:$0x7];
	[sflag:s9] =	ssyncadd.s32 $0xFFFF8000  }
0x186: {  	[hbm4b:s18+s15] =	stream.strided.scatter [tilespmem:s11], [sflag:$0x2], $0x8000, s16, s15, $0x38;
	[tilespmem:$0x18280] =	vst v63  }
0x187: {  	_ =	swait.ge [sflag:s13], $0x8000  }
0x188: {  	[sflag:s13] =	ssyncset.done $0x0  }
0x189: {  	[sflag:s13] =	ssyncadd.s32 $0xFFFF8000  }
0x18a: {  	v3 =	vld.msk [tilespmem:$0x100], $0xff;
	_ =	sdelay $0x4  }
0x18b: {  	v3 =	vshll.u32 v3, $0x12  }
0x18c: {  	v3 =	vperm.xlane v3, v1;
	_ =	sdelay $0x5  }
0x18d: {  	[tilespmem:s11], [sflag:$0x1] =	stream.indirect_vreg.gather [hbm4b:s8+s12], $0x1000, v3, vm8, $0x38;
	[tilespmem:$0x18280] =	vst v63  }
0x18e: {  	_ =	swait.ge [sflag:s9], $0x8000  }
0x18f: {  	[sflag:s9] =	ssyncset.done $0x0  }
0x190: {  	s19 =	rddreg [dreg:$0x8];
	[sflag:s9] =	ssyncadd.s32 $0xFFFF8000  }
0x191: {  	[hbm4b:s19+s15] =	stream.strided.scatter [tilespmem:s6], [sflag:$0x2], $0x8000, s16, s15, $0x38;
	[tilespmem:$0x18280] =	vst v63  }
0x192: {  	_ =	swait.ge [sflag:s13], $0x8000  }
0x193: {  	[sflag:s13] =	ssyncset.done $0x0  }
0x194: {  	[sflag:s13] =	ssyncadd.s32 $0xFFFF8000  }
0x195: {  	v3 =	vld.msk [tilespmem:$0x108], $0xff;
	_ =	sdelay $0x4  }
0x196: {  	v3 =	vshll.u32 v3, $0x12  }
0x197: {  	v3 =	vperm.xlane v3, v1;
	_ =	sdelay $0x5  }
0x198: {  	[tilespmem:s6], [sflag:$0x1] =	stream.indirect_vreg.gather [hbm4b:s5+s12], $0x1000, v3, vm8, $0x38;
	[tilespmem:$0x18280] =	vst v63  }
0x199: {  	_ =	swait.ge [sflag:s9], $0x8000  }
0x19a: {  	[sflag:s9] =	ssyncset.done $0x0  }
0x19b: {  	s20 =	rddreg [dreg:$0x9];
	[sflag:s9] =	ssyncadd.s32 $0xFFFF8000  }
0x19c: {  	[hbm4b:s20+s15] =	stream.strided.scatter [tilespmem:s10], [sflag:$0x2], $0x8000, s16, s15, $0x38;
	[tilespmem:$0x18280] =	vst v63  }
0x19d: {  	_ =	swait.ge [sflag:s13], $0x8000  }
0x19e: {  	[sflag:s13] =	ssyncset.done $0x0  }
0x19f: {  	[sflag:s13] =	ssyncadd.s32 $0xFFFF8000  }
0x1a0: {  	v3 =	vld.msk [tilespmem:$0x108], $0xff;
	_ =	sdelay $0x4  }
0x1a1: {  	v3 =	vshll.u32 v3, $0x12  }
0x1a2: {  	v3 =	vperm.xlane v3, v1;
	_ =	sdelay $0x5  }
0x1a3: {  	[tilespmem:s10], [sflag:$0x1] =	stream.indirect_vreg.gather [hbm4b:s8+s12], $0x1000, v3, vm8, $0x38;
	[tilespmem:$0x18280] =	vst v63  }
0x1a4: {  	_ =	swait.ge [sflag:s9], $0x8000  }
0x1a5: {  	[sflag:s9] =	ssyncset.done $0x0  }
0x1a6: {  	s21 =	rddreg [dreg:$0xa];
	[sflag:s9] =	ssyncadd.s32 $0xFFFF8000  }
0x1a7: {  	[hbm4b:s21+s15] =	stream.strided.scatter [tilespmem:s11], [sflag:$0x2], $0x8000, s16, s15, $0x38;
	[tilespmem:$0x18280] =	vst v63  }
0x1a8: {  	_ =	swait.ge [sflag:s13], $0x8000  }
0x1a9: {  	[sflag:s13] =	ssyncset.done $0x0  }
0x1aa: {  	[sflag:s13] =	ssyncadd.s32 $0xFFFF8000  }
0x1ab: {  	v3 =	vld.msk [tilespmem:$0x180], $0xff;
	_ =	sdelay $0x4  }
0x1ac: {  	v3 =	vshll.u32 v3, $0x12  }
0x1ad: {  	v3 =	vperm.xlane v3, v1;
	_ =	sdelay $0x5  }
0x1ae: {  	[tilespmem:s11], [sflag:$0x1] =	stream.indirect_vreg.gather [hbm4b:s5+s12], $0x1000, v3, vm8, $0x38;
	[tilespmem:$0x18280] =	vst v63  }
0x1af: {  	_ =	swait.ge [sflag:s9], $0x8000  }
0x1b0: {  	[sflag:s9] =	ssyncset.done $0x0  }
0x1b1: {  	s22 =	rddreg [dreg:$0xb];
	[sflag:s9] =	ssyncadd.s32 $0xFFFF8000  }
0x1b2: {  	[hbm4b:s22+s15] =	stream.strided.scatter [tilespmem:s6], [sflag:$0x2], $0x8000, s16, s15, $0x38;
	[tilespmem:$0x18280] =	vst v63  }
0x1b3: {  	_ =	swait.ge [sflag:s13], $0x8000  }
0x1b4: {  	[sflag:s13] =	ssyncset.done $0x0  }
0x1b5: {  	[sflag:s13] =	ssyncadd.s32 $0xFFFF8000  }
0x1b6: {  	v3 =	vld.msk [tilespmem:$0x180], $0xff;
	_ =	sdelay $0x4  }
0x1b7: {  	v3 =	vshll.u32 v3, $0x12  }
0x1b8: {  	v3 =	vperm.xlane v3, v1;
	_ =	sdelay $0x5  }
0x1b9: {  	[tilespmem:s6], [sflag:$0x1] =	stream.indirect_vreg.gather [hbm4b:s8+s12], $0x1000, v3, vm8, $0x38;
	[tilespmem:$0x18280] =	vst v63  }
0x1ba: {  	_ =	swait.ge [sflag:s9], $0x8000  }
0x1bb: {  	[sflag:s9] =	ssyncset.done $0x0  }
0x1bc: {  	s23 =	rddreg [dreg:$0xc];
	[sflag:s9] =	ssyncadd.s32 $0xFFFF8000  }
0x1bd: {  	[hbm4b:s23+s15] =	stream.strided.scatter [tilespmem:s10], [sflag:$0x2], $0x8000, s16, s15, $0x38;
	[tilespmem:$0x18280] =	vst v63  }
0x1be: {  	_ =	swait.ge [sflag:s13], $0x8000  }
0x1bf: {  	[sflag:s13] =	ssyncset.done $0x0  }
0x1c0: {  	[sflag:s13] =	ssyncadd.s32 $0xFFFF8000  }
0x1c1: {  	v3 =	vld.msk [tilespmem:$0x188], $0xff;
	_ =	sdelay $0x4  }
0x1c2: {  	v3 =	vshll.u32 v3, $0x12  }
0x1c3: {  	v3 =	vperm.xlane v3, v1;
	_ =	sdelay $0x5  }
0x1c4: {  	[tilespmem:s10], [sflag:$0x1] =	stream.indirect_vreg.gather [hbm4b:s5+s12], $0x1000, v3, vm8, $0x38;
	[tilespmem:$0x18280] =	vst v63  }
0x1c5: {  	_ =	swait.ge [sflag:s9], $0x8000  }
0x1c6: {  	[sflag:s9] =	ssyncset.done $0x0  }
0x1c7: {  	s24 =	rddreg [dreg:$0xd];
	[sflag:s9] =	ssyncadd.s32 $0xFFFF8000  }
0x1c8: {  	[hbm4b:s24+s15] =	stream.strided.scatter [tilespmem:s11], [sflag:$0x2], $0x8000, s16, s15, $0x38;
	[tilespmem:$0x18280] =	vst v63  }
0x1c9: {  	_ =	swait.ge [sflag:s13], $0x8000  }
0x1ca: {  	[sflag:s13] =	ssyncset.done $0x0  }
0x1cb: {  	[sflag:s13] =	ssyncadd.s32 $0xFFFF8000  }
0x1cc: {  	v3 =	vld.msk [tilespmem:$0x188], $0xff;
	_ =	sdelay $0x4  }
0x1cd: {  	v3 =	vshll.u32 v3, $0x12  }
0x1ce: {  	v3 =	vperm.xlane v3, v1;
	_ =	sdelay $0x5  }
0x1cf: {  	[tilespmem:s11], [sflag:$0x1] =	stream.indirect_vreg.gather [hbm4b:s8+s12], $0x1000, v3, vm8, $0x38;
	[tilespmem:$0x18280] =	vst v63  }
0x1d0: {  	_ =	swait.ge [sflag:s9], $0x8000  }
0x1d1: {  	[sflag:s9] =	ssyncset.done $0x0  }
0x1d2: {  	s25 =	rddreg [dreg:$0xe];
	[sflag:s9] =	ssyncadd.s32 $0xFFFF8000  }
0x1d3: {  	[hbm4b:s25+s15] =	stream.strided.scatter [tilespmem:s6], [sflag:$0x2], $0x8000, s16, s15, $0x38;
	[tilespmem:$0x18280] =	vst v63  }
0x1d4: {  	_ =	swait.ge [sflag:s13], $0x8000  }
0x1d5: {  	[sflag:s13] =	ssyncset.done $0x0  }
0x1d6: {  	[sflag:s13] =	ssyncadd.s32 $0xFFFF8000  }
0x1d7: {  	v3 =	vld.msk [tilespmem:$0x200], $0x3;
	_ =	sdelay $0x4  }
0x1d8: {  	v3 =	vshll.u32 v3, $0x12  }
0x1d9: {  	v63 =	vld [tilespmem:$0x1FFF0];
	v3 =	vperm.xlane v3, v1;
	_ =	sdelay $0x4  }
0x1da: {  	vm9 =	vnez.u8 v63  }
0x1db: {  	[tilespmem:s6], [sflag:$0x1] =	stream.indirect_vreg.gather [hbm4b:s5+s12], $0x1000, v3, vm9, $0x38;
	[tilespmem:$0x18280] =	vst v63  }
0x1dc: {  	_ =	swait.ge [sflag:s9], $0x8000  }
0x1dd: {  	[sflag:s9] =	ssyncset.done $0x0  }
0x1de: {  	s26 =	rddreg [dreg:$0xf];
	[sflag:s9] =	ssyncadd.s32 $0xFFFF8000  }
0x1df: {  	[hbm4b:s26+s15] =	stream.strided.scatter [tilespmem:s10], [sflag:$0x2], $0x8000, s16, s15, $0x38;
	[tilespmem:$0x18280] =	vst v63  }
0x1e0: {  	_ =	swait.ge [sflag:s13], $0x8000  }
0x1e1: {  	[sflag:s13] =	ssyncset.done $0x0  }
0x1e2: {  	[sflag:s13] =	ssyncadd.s32 $0xFFFF8000  }
0x1e3: {  	v3 =	vld.msk [tilespmem:$0x200], $0x3;
	_ =	sdelay $0x4  }
0x1e4: {  	v3 =	vshll.u32 v3, $0x12  }
0x1e5: {  	v3 =	vperm.xlane v3, v1;
	_ =	sdelay $0x5  }
0x1e6: {  	[tilespmem:s10], [sflag:$0x1] =	stream.indirect_vreg.gather [hbm4b:s8+s12], $0x1000, v3, vm9, $0x38;
	[tilespmem:$0x18280] =	vst v63  }
0x1e7: {  	_ =	swait.ge [sflag:s9], $0x8000  }
0x1e8: {  	[sflag:s9] =	ssyncset.done $0x0  }
0x1e9: {  	s28 =	rddreg [dreg:$0x10];
	[sflag:s9] =	ssyncadd.s32 $0xFFFF8000  }
0x1ea: {  	[hbm4b:s28+s15] =	stream.strided.scatter [tilespmem:s11], [sflag:$0x2], $0x8000, s16, s15, $0x38;
	[tilespmem:$0x18280] =	vst v63  }
0x1eb: {  	_ =	swait.ge [sflag:s9], $0x2000  }
0x1ec: {  	[sflag:s9] =	ssyncset.done $0x0  }
0x1ed: {  	s29 =	rddreg [dreg:$0x11];
	[sflag:s9] =	ssyncadd.s32 $0xFFFFE000  }
0x1ee: {  	[hbm4b:s29+s15] =	stream.strided.scatter [tilespmem:s6], [sflag:$0x2], $0x2000, s16, s15, $0x38;
	[tilespmem:$0x18280] =	vst v63  }
0x1ef: {  	_ =	swait.ge [sflag:s9], $0x2000  }
0x1f0: {  	[sflag:s9] =	ssyncset.done $0x0  }
0x1f1: {  	s30 =	rddreg [dreg:$0x12];
	[sflag:s9] =	ssyncadd.s32 $0xFFFFE000  }
0x1f2: {  	[hbm4b:s30+s15] =	stream.strided.scatter [tilespmem:s10], [sflag:$0x2], $0x2000, s16, s15, $0x38;
	[tilespmem:$0x18280] =	vst v63  }
0x1f3: {  	s31 =	rddreg [dreg:$0x15];
	_ =	swait.ge [sflag:s13], $0x8000  }
0x1f4: {  	[sflag:s13] =	ssyncset.done $0x0  }
0x1f5: {  	[sflag:s13] =	ssyncadd.s32 $0xFFFF8000  }
0x1f6: {  	p0 =	sne.s32 s31, $0x1;
	_ =	swait.ge [sflag:s13], $0x2000  }
.Ltmp0:
0x1f7: {  	[sflag:s13] =	ssyncset.done $0x0;
	(pc) =	sbr.rel @p0 .LBB2_1-.Ltmp0, $4  }
0x1f8: {  	[sflag:s13] =	ssyncadd.s32 $0xFFFFE000  }
0x1f9: {  	_ =	swait.ge [sflag:s13], $0x2000  }
0x1fa: {  	[sflag:s13] =	ssyncset.done $0x0  }
0x1fb: {  	s0 =	sadd.s32 $0xFFFFFFFF, s31;
	[sflag:s13] =	ssyncadd.s32 $0xFFFFE000  }
0x1fc: {  	_ =	sfence.sel $0x180000  }
0x1fd: {  	[bflag:$0x0] =	sbarrier.arrive $0xFFFF  }
0x1fe: {  	_ =	strace $0x90000047  }
0x1ff: {  	s0 =	stileid.u32;
	[bflag:$0x2] =	sbarrier.arrive $0xFFFF  }
0x200: {  	p0 =	sne.s32 s0, $0x0;
	s0 =	rddreg [dreg:$0x3]  }
0x201: {  	s0 =	sadd.s32 @!p0 $0x100000, s0  }
0x202: {  	[sflag:s0] =	ssyncadd.tile.s32 @!p0 $0x1;
	_ =	shalt  }
.Lfunc_end2:
_tile_overlayer_lowered:
.L_overlay_start_2:
0x203: {  	(tag) =	ssettag $0x2  }
0x204: {  	s0 =	rddreg [dreg:$0x0];
	s2 =	stileid.u32  }
0x205: {  	s1 =	rddreg [dreg:$0x1];
	p0 =	sne.s32 s2, $0x0  }
0x206: {  	s3 =	rddreg [dreg:$0x2];
	[bflag:$0x3] =	sbarrier.arrive $0xFFFF;
	s2 =	simm.s32 @!p0 $0x1C03  }
0x207: {  	[timem:s3], [sflag:s2] =	dma.local @!p0 [hbm:s0], s1  }
0x208: {  	s0 =	simm.s32 @!p0 $0x3  }
0x209: {  	_ =	swait.ge @!p0 [sflag:s0], s1  }
0x20a: {  	s1 =	ssub.s32 @!p0 $0x0, s1;
	[sflag:s0] =	ssyncset.done @!p0 $0x0  }
0x20b: {  	[sflag:s0] =	ssyncadd.s32 @!p0 s1  }
0x20c: {  	[bflag:$0x3] =	sbarrier.arrive $0xFFFF  }
0x20d: {  	_ =	shalt  }

</sc_bundles>
